<compile_context>
chip_gen: v7x
topology: tpu7x:2x2x1
jax: 0.10.2.dev20260603
libtpu: 0.0.44.dev20260713+nightly
codegen_flags: <defaults>
</compile_context>

<pallas_src>
import functools

import jax
import jax.numpy as jnp
from jax import lax
from jax.experimental import pallas as pl
from jax.experimental.pallas import tpu as pltpu
from jax.experimental.pallas import tpu_sc as plsc

D = 128
NROWS = 3120
FIDX_BLOCK = 4096


def _prep_body(t_ref, c_ref, st_ref, vi_ref, o_ref, fidx_ref, tout_ref):
    @pl.when(pl.program_id(0) == 0)
    def _():
        _build_table(t_ref, tout_ref)

    fidx_ref[...] = (
        c_ref[...] * 60 + st_ref[...] * 15 + vi_ref[...] * 5 + o_ref[...]
    )


def _build_table(t_ref, out_ref):
    i2 = lax.broadcasted_iota(jnp.int32, (NROWS, 32), 0)
    l2 = lax.broadcasted_iota(jnp.int32, (NROWS, 32), 1)
    c = i2 // 60
    v = i2 - c * 60
    q = c // 13
    r = c - q * 13
    st = v // 15
    rem = v - st * 15
    vi = rem // 5
    o = rem - vi * 5
    oh = (
        (l2 == r)
        | (l2 == 13 + q)
        | (l2 == 17 + st)
        | (l2 == 21 + vi)
        | (l2 == 24 + o)
    ).astype(jnp.float32)
    out_ref[...] = jnp.dot(oh, t_ref[...], preferred_element_type=jnp.float32)


def _make_sc_kernel(n_rows_out):
    info = plsc.get_sparse_core_info()
    nc, ns = info.num_cores, info.num_subcores
    nw = nc * ns
    idx_rows = n_rows_out // D
    per_w = idx_rows // nw
    nbuf = 4
    n_chunks = per_w

    mesh = plsc.VectorSubcoreMesh(core_axis_name="c", subcore_axis_name="s")

    @functools.partial(
        pl.kernel,
        mesh=mesh,
        out_type=jax.ShapeDtypeStruct((n_rows_out, D), jnp.float32),
        scratch_types=[
            pltpu.VMEM((nbuf, 1, D), jnp.int32),
            pltpu.VMEM((nbuf, D, D), jnp.float32),
            pltpu.VMEM_SHARED((NROWS, D), jnp.float32),
            pltpu.SemaphoreType.DMA((nbuf,)),
            pltpu.SemaphoreType.DMA((nbuf,)),
            pltpu.SemaphoreType.DMA((nbuf,)),
        ],
    )
    def sc_gather(table_hbm, fidx_hbm, out_hbm, idx_v, rows_v, table_sh,
                  sem_i, sem_g, sem_o):
        wid = lax.axis_index("s") * nc + lax.axis_index("c")
        ibase = wid * per_w

        sid = lax.axis_index("s")
        pltpu.sync_copy(
            table_hbm.at[pl.ds(sid * 192, 192)],
            table_sh.at[pl.ds(sid * 192, 192)])

        @pl.when(sid == ns - 1)
        def _():
            pltpu.sync_copy(
                table_hbm.at[pl.ds(ns * 192, NROWS - ns * 192)],
                table_sh.at[pl.ds(ns * 192, NROWS - ns * 192)])

        plsc.subcore_barrier()

        def fetch_idx(g, b):
            pltpu.async_copy(
                fidx_hbm.at[pl.ds(ibase + g, 1)], idx_v.at[b], sem_i.at[b])

        def wait_idx(b):
            pltpu.make_async_copy(
                fidx_hbm.at[pl.ds(ibase, 1)], idx_v.at[b], sem_i.at[b]).wait()

        def fire_gather(b):
            pltpu.async_copy(
                table_sh.at[idx_v.at[b, 0]], rows_v.at[b], sem_g.at[b])

        def drain_gather(b):
            pltpu.make_async_copy(
                table_sh.at[idx_v.at[b, 0]], rows_v.at[b], sem_g.at[b]).wait()

        def store_out(g, b):
            pltpu.async_copy(
                rows_v.at[b],
                out_hbm.at[pl.ds(ibase * D + g * D, D)], sem_o.at[b])

        def wait_store(b):
            pltpu.make_async_copy(
                rows_v.at[b],
                out_hbm.at[pl.ds(ibase * D, D)], sem_o.at[b]).wait()

        for b in range(nbuf):
            fetch_idx(b, b)
        wait_idx(0)
        fire_gather(0)
        wait_idx(1)
        fire_gather(1)

        def body(g4, _):
            for b in range(nbuf):
                g = g4 * nbuf + b
                drain_gather(b)
                store_out(g, b)

                @pl.when(g >= 2)
                def _():
                    wait_store((b + 2) % nbuf)

                @pl.when(g + 2 < n_chunks)
                def _():
                    wait_idx((b + 2) % nbuf)
                    fire_gather((b + 2) % nbuf)

                @pl.when(g + nbuf < n_chunks)
                def _():
                    fetch_idx(g + nbuf, b)
            return 0

        lax.fori_loop(0, n_chunks // nbuf, body, 0)
        wait_store((n_chunks - 2) % nbuf)
        wait_store((n_chunks - 1) % nbuf)

    return sc_gather


def kernel(card_indices, stages, visibility, order, rank_emb, suit_emb,
           stage_emb, visibility_emb, order_emb):
    B, L = card_indices.shape
    N = B * L
    tables = jnp.concatenate(
        [rank_emb, suit_emb, stage_emb, visibility_emb, order_emb,
         jnp.zeros((3, D), jnp.float32)], axis=0)

    nb = B // FIDX_BLOCK
    spec = pl.BlockSpec((L, FIDX_BLOCK), lambda i: (0, i))
    fidx_t, fused_table = pl.pallas_call(
        _prep_body,
        grid=(nb,),
        in_specs=[pl.BlockSpec((32, D), lambda i: (0, 0)),
                  spec, spec, spec, spec],
        out_specs=[spec, pl.BlockSpec((NROWS, D), lambda i: (0, 0))],
        out_shape=[jax.ShapeDtypeStruct((L, B), jnp.int32),
                   jax.ShapeDtypeStruct((NROWS, D), jnp.float32)],
    )(tables, card_indices.T.astype(jnp.int32), stages.T.astype(jnp.int32),
      visibility.T.astype(jnp.int32), order.T.astype(jnp.int32))

    fidx2d = fidx_t.reshape(N // D, D)
    out = _make_sc_kernel(N)(fused_table, fidx2d)
    return out.reshape(L, B, D).transpose(1, 0, 2)

# --- scband reference (transcript-rebuilt; emitter-appended) ---
"""Pipeline reference for scband-card-embedding-17961553232550 (READ-ONLY COPY).

The authoritative reference and input builder live on the scoring server;
editing this copy changes nothing except your own understanding.
"""

import jax, jax.numpy as jnp
import numpy as np

D_MODEL = 128
B, L = 16384, 50

def setup_inputs(seed: int = 0) -> dict:
    key = jax.random.key(seed)
    ks = jax.random.split(key, 9)
    card_indices = jax.random.randint(ks[0], (B, L), 0, 52, dtype=jnp.int64 if jax.config.jax_enable_x64 else jnp.int32)
    stages = jax.random.randint(ks[1], (B, L), 0, 4)
    visibility = jax.random.randint(ks[2], (B, L), 0, 3)
    order = jax.random.randint(ks[3], (B, L), 0, 5)
    rank_emb = jax.random.normal(ks[4], (13, D_MODEL), dtype=jnp.float32)
    suit_emb = jax.random.normal(ks[5], (4, D_MODEL), dtype=jnp.float32)
    stage_emb = jax.random.normal(ks[6], (4, D_MODEL), dtype=jnp.float32)
    visibility_emb = jax.random.normal(ks[7], (3, D_MODEL), dtype=jnp.float32)
    order_emb = jax.random.normal(ks[8], (5, D_MODEL), dtype=jnp.float32)
    return {
        'card_indices': card_indices,
        'stages': stages,
        'visibility': visibility,
        'order': order,
        'rank_emb': rank_emb,
        'suit_emb': suit_emb,
        'stage_emb': stage_emb,
        'visibility_emb': visibility_emb,
        'order_emb': order_emb,
    }

def reference(card_indices, stages, visibility, order, rank_emb, suit_emb, stage_emb, visibility_emb, order_emb):
    ranks = card_indices % 13
    suits = card_indices // 13
    embeddings = (
        jnp.take(rank_emb, ranks, axis=0)
        + jnp.take(suit_emb, suits, axis=0)
        + jnp.take(stage_emb, stages, axis=0)
        + jnp.take(visibility_emb, visibility, axis=0)
        + jnp.take(order_emb, order, axis=0)
    )
    return embeddings

if __name__ == "__main__":
    import jax
    _d = setup_inputs()
    print(jax.jit(kernel)(*tuple(_d.values())))

</pallas_src>

<mosaic_0001>
#map = affine_map<(d0, d1) -> (0, 0)>
module attributes {stable_mosaic.version = 14 : i64} {
  func.func @sc_gather(%arg0: i32, %arg1: i32, %arg2: memref<3120x128xf32, #tpu.memory_space<hbm>>, %arg3: memref<6400x128xi32, #tpu.memory_space<hbm>>, %arg4: memref<819200x128xf32, #tpu.memory_space<hbm>>, %arg5: memref<4x1x128xi32, #tpu.memory_space<vmem>>, %arg6: memref<4x128x128xf32, #tpu.memory_space<vmem>>, %arg7: memref<3120x128xf32, #tpu.memory_space<vmem_shared>>, %arg8: memref<4x!tpu.dma_semaphore, #tpu.memory_space<semaphore_mem>>, %arg9: memref<4x!tpu.dma_semaphore, #tpu.memory_space<semaphore_mem>>, %arg10: memref<4x!tpu.dma_semaphore, #tpu.memory_space<semaphore_mem>>) attributes {dimension_semantics = [#tpu.dimension_semantics<core_parallel>, #tpu.dimension_semantics<subcore_parallel>], iteration_bounds = array<i64: 2, 16>, scalar_prefetch = 0 : i64, scratch_operands = 6 : i64, tpu.core_type = #tpu.core_type<sc_vector_subcore>, window_params = [{transform_indices = #map}, {transform_indices = #map}, {transform_indices = #map}]} {
    %mul3A = arith.constant 2 : i32
    %mul3A_0 = arith.muli %arg1, %mul3A : i32
    %add3A = arith.addi %mul3A_0, %arg0 : i32
    %mul3A_1 = arith.constant 200 : i32
    %mul3A_2 = arith.muli %add3A, %mul3A_1 : i32
    %mul3A_3 = arith.constant 192 : i32
    %mul3A_4 = arith.muli %arg1, %mul3A_3 : i32
    %mul3A_5 = arith.constant 192 : i32
    %mul3A_6 = arith.muli %arg1, %mul3A_5 : i32
    "tpu.region"() ({
      %run_scoped3A = tpu.sem_alloc : memref<!tpu.dma_semaphore, #tpu.memory_space<semaphore_mem>>
      %dma_start3A_185 = arith.constant 0 : i32
      %dma_start3A_186 = tpu.memref_slice %arg7[%mul3A_6, %dma_start3A_185] : memref<3120x128xf32, #tpu.memory_space<vmem_shared>> -> memref<192x128xf32, #tpu.memory_space<vmem_shared>>
      %dma_start3A_187 = arith.constant 0 : i32
      %dma_start3A_188 = tpu.memref_slice %arg2[%mul3A_4, %dma_start3A_187] : memref<3120x128xf32, #tpu.memory_space<hbm>> -> memref<192x128xf32, #tpu.memory_space<hbm>>
      tpu.enqueue_dma source(%dma_start3A_188 : memref<192x128xf32, #tpu.memory_space<hbm>>) target(%dma_start3A_186 : memref<192x128xf32, #tpu.memory_space<vmem_shared>>) target_semaphore(%run_scoped3A : memref<!tpu.dma_semaphore, #tpu.memory_space<semaphore_mem>>)
      %dma_wait3A_189 = arith.constant 0 : i32
      %dma_wait3A_190 = tpu.memref_slice %arg7[%mul3A_6, %dma_wait3A_189] : memref<3120x128xf32, #tpu.memory_space<vmem_shared>> -> memref<192x128xf32, #tpu.memory_space<vmem_shared>>
      %dma_wait3A_191 = arith.constant 0 : i32
      %dma_wait3A_192 = tpu.memref_slice %arg2[%mul3A_4, %dma_wait3A_191] : memref<3120x128xf32, #tpu.memory_space<hbm>> -> memref<192x128xf32, #tpu.memory_space<hbm>>
      tpu.wait_dma2 semaphore(%run_scoped3A : memref<!tpu.dma_semaphore, #tpu.memory_space<semaphore_mem>>) src(%dma_wait3A_192 : memref<192x128xf32, #tpu.memory_space<hbm>>) dst(%dma_wait3A_190 : memref<192x128xf32, #tpu.memory_space<vmem_shared>>)
      tpu.yield
    }) : () -> ()
    %eq3A = arith.constant 15 : i32
    %eq3A_7 = arith.cmpi eq, %arg1, %eq3A : i32
    %convert_element_type3A = arith.extui %eq3A_7 : i1 to i32
    %cond3A = arith.constant 0 : i32
    %cond3A_8 = arith.cmpi ne, %convert_element_type3A, %cond3A : i32
    scf.if %cond3A_8 {
      "tpu.region"() ({
        %run_scoped3A = tpu.sem_alloc : memref<!tpu.dma_semaphore, #tpu.memory_space<semaphore_mem>>
        %dma_start3A_185 = arith.constant 3072 : i32
        %dma_start3A_186 = arith.constant 0 : i32
        %dma_start3A_187 = tpu.memref_slice %arg7[%dma_start3A_185, %dma_start3A_186] : memref<3120x128xf32, #tpu.memory_space<vmem_shared>> -> memref<48x128xf32, #tpu.memory_space<vmem_shared>>
        %dma_start3A_188 = arith.constant 3072 : i32
        %dma_start3A_189 = arith.constant 0 : i32
        %dma_start3A_190 = tpu.memref_slice %arg2[%dma_start3A_188, %dma_start3A_189] : memref<3120x128xf32, #tpu.memory_space<hbm>> -> memref<48x128xf32, #tpu.memory_space<hbm>>
        tpu.enqueue_dma source(%dma_start3A_190 : memref<48x128xf32, #tpu.memory_space<hbm>>) target(%dma_start3A_187 : memref<48x128xf32, #tpu.memory_space<vmem_shared>>) target_semaphore(%run_scoped3A : memref<!tpu.dma_semaphore, #tpu.memory_space<semaphore_mem>>)
        %dma_wait3A_191 = arith.constant 3072 : i32
        %dma_wait3A_192 = arith.constant 0 : i32
        %dma_wait3A_193 = tpu.memref_slice %arg7[%dma_wait3A_191, %dma_wait3A_192] : memref<3120x128xf32, #tpu.memory_space<vmem_shared>> -> memref<48x128xf32, #tpu.memory_space<vmem_shared>>
        %dma_wait3A_194 = arith.constant 3072 : i32
        %dma_wait3A_195 = arith.constant 0 : i32
        %dma_wait3A_196 = tpu.memref_slice %arg2[%dma_wait3A_194, %dma_wait3A_195] : memref<3120x128xf32, #tpu.memory_space<hbm>> -> memref<48x128xf32, #tpu.memory_space<hbm>>
        tpu.wait_dma2 semaphore(%run_scoped3A : memref<!tpu.dma_semaphore, #tpu.memory_space<semaphore_mem>>) src(%dma_wait3A_196 : memref<48x128xf32, #tpu.memory_space<hbm>>) dst(%dma_wait3A_193 : memref<48x128xf32, #tpu.memory_space<vmem_shared>>)
        tpu.yield
      }) : () -> ()
    } else {
    }
    %barrier3A = arith.constant 0 : index
    tpu.barrier barrier_id(%barrier3A)
    %add3A_9 = arith.constant 0 : i32
    %add3A_10 = arith.addi %mul3A_2, %add3A_9 : i32
    %dma_start3A = arith.constant 0 : i32
    %dma_start3A_11 = arith.constant 0 : i32
    %dma_start3A_12 = arith.constant 0 : i32
    %dma_start3A_13 = arith.constant 0 : i32
    %dma_start3A_14 = tpu.memref_slice %arg5[%dma_start3A, %dma_start3A_12, %dma_start3A_13] : memref<4x1x128xi32, #tpu.memory_space<vmem>> -> memref<1x1x128xi32, #tpu.memory_space<vmem>>
    %dma_start3A_15 = tpu.memref_squeeze %dma_start3A_14 : memref<1x1x128xi32, #tpu.memory_space<vmem>> -> memref<1x128xi32, #tpu.memory_space<vmem>>
    %dma_start3A_16 = arith.constant 0 : i32
    %dma_start3A_17 = tpu.memref_slice %arg3[%add3A_10, %dma_start3A_16] : memref<6400x128xi32, #tpu.memory_space<hbm>> -> memref<1x128xi32, #tpu.memory_space<hbm>>
    %dma_start3A_18 = tpu.memref_slice %arg8[%dma_start3A_11] : memref<4x!tpu.dma_semaphore, #tpu.memory_space<semaphore_mem>> -> memref<1x!tpu.dma_semaphore, #tpu.memory_space<semaphore_mem>>
    %dma_start3A_19 = tpu.memref_squeeze %dma_start3A_18 : memref<1x!tpu.dma_semaphore, #tpu.memory_space<semaphore_mem>> -> memref<!tpu.dma_semaphore, #tpu.memory_space<semaphore_mem>>
    %dma_start3A_20 = arith.constant 0 : i32
    %dma_start3A_21 = arith.constant 0 : i32
    %dma_start3A_22 = tpu.memref_slice %arg5[%dma_start3A, %dma_start3A_20, %dma_start3A_21] : memref<4x1x128xi32, #tpu.memory_space<vmem>> -> memref<1x1x128xi32, #tpu.memory_space<vmem>>
    %dma_start3A_23 = tpu.memref_squeeze %dma_start3A_22 : memref<1x1x128xi32, #tpu.memory_space<vmem>> -> memref<1x128xi32, #tpu.memory_space<vmem>>
    %dma_start3A_24 = arith.constant 0 : i32
    %dma_start3A_25 = tpu.memref_slice %arg3[%add3A_10, %dma_start3A_24] : memref<6400x128xi32, #tpu.memory_space<hbm>> -> memref<1x128xi32, #tpu.memory_space<hbm>>
    tpu.enqueue_dma source(%dma_start3A_25 : memref<1x128xi32, #tpu.memory_space<hbm>>) target(%dma_start3A_23 : memref<1x128xi32, #tpu.memory_space<vmem>>) target_semaphore(%dma_start3A_19 : memref<!tpu.dma_semaphore, #tpu.memory_space<semaphore_mem>>)
    %add3A_26 = arith.constant 1 : i32
    %add3A_27 = arith.addi %mul3A_2, %add3A_26 : i32
    %dma_start3A_28 = arith.constant 1 : i32
    %dma_start3A_29 = arith.constant 1 : i32
    %dma_start3A_30 = arith.constant 0 : i32
    %dma_start3A_31 = arith.constant 0 : i32
    %dma_start3A_32 = tpu.memref_slice %arg5[%dma_start3A_28, %dma_start3A_30, %dma_start3A_31] : memref<4x1x128xi32, #tpu.memory_space<vmem>> -> memref<1x1x128xi32, #tpu.memory_space<vmem>>
    %dma_start3A_33 = tpu.memref_squeeze %dma_start3A_32 : memref<1x1x128xi32, #tpu.memory_space<vmem>> -> memref<1x128xi32, #tpu.memory_space<vmem>>
    %dma_start3A_34 = arith.constant 0 : i32
    %dma_start3A_35 = tpu.memref_slice %arg3[%add3A_27, %dma_start3A_34] : memref<6400x128xi32, #tpu.memory_space<hbm>> -> memref<1x128xi32, #tpu.memory_space<hbm>>
    %dma_start3A_36 = tpu.memref_slice %arg8[%dma_start3A_29] : memref<4x!tpu.dma_semaphore, #tpu.memory_space<semaphore_mem>> -> memref<1x!tpu.dma_semaphore, #tpu.memory_space<semaphore_mem>>
    %dma_start3A_37 = tpu.memref_squeeze %dma_start3A_36 : memref<1x!tpu.dma_semaphore, #tpu.memory_space<semaphore_mem>> -> memref<!tpu.dma_semaphore, #tpu.memory_space<semaphore_mem>>
    %dma_start3A_38 = arith.constant 0 : i32
    %dma_start3A_39 = arith.constant 0 : i32
    %dma_start3A_40 = tpu.memref_slice %arg5[%dma_start3A_28, %dma_start3A_38, %dma_start3A_39] : memref<4x1x128xi32, #tpu.memory_space<vmem>> -> memref<1x1x128xi32, #tpu.memory_space<vmem>>
    %dma_start3A_41 = tpu.memref_squeeze %dma_start3A_40 : memref<1x1x128xi32, #tpu.memory_space<vmem>> -> memref<1x128xi32, #tpu.memory_space<vmem>>
    %dma_start3A_42 = arith.constant 0 : i32
    %dma_start3A_43 = tpu.memref_slice %arg3[%add3A_27, %dma_start3A_42] : memref<6400x128xi32, #tpu.memory_space<hbm>> -> memref<1x128xi32, #tpu.memory_space<hbm>>
    tpu.enqueue_dma source(%dma_start3A_43 : memref<1x128xi32, #tpu.memory_space<hbm>>) target(%dma_start3A_41 : memref<1x128xi32, #tpu.memory_space<vmem>>) target_semaphore(%dma_start3A_37 : memref<!tpu.dma_semaphore, #tpu.memory_space<semaphore_mem>>)
    %add3A_44 = arith.constant 2 : i32
    %add3A_45 = arith.addi %mul3A_2, %add3A_44 : i32
    %dma_start3A_46 = arith.constant 2 : i32
    %dma_start3A_47 = arith.constant 2 : i32
    %dma_start3A_48 = arith.constant 0 : i32
    %dma_start3A_49 = arith.constant 0 : i32
    %dma_start3A_50 = tpu.memref_slice %arg5[%dma_start3A_46, %dma_start3A_48, %dma_start3A_49] : memref<4x1x128xi32, #tpu.memory_space<vmem>> -> memref<1x1x128xi32, #tpu.memory_space<vmem>>
    %dma_start3A_51 = tpu.memref_squeeze %dma_start3A_50 : memref<1x1x128xi32, #tpu.memory_space<vmem>> -> memref<1x128xi32, #tpu.memory_space<vmem>>
    %dma_start3A_52 = arith.constant 0 : i32
    %dma_start3A_53 = tpu.memref_slice %arg3[%add3A_45, %dma_start3A_52] : memref<6400x128xi32, #tpu.memory_space<hbm>> -> memref<1x128xi32, #tpu.memory_space<hbm>>
    %dma_start3A_54 = tpu.memref_slice %arg8[%dma_start3A_47] : memref<4x!tpu.dma_semaphore, #tpu.memory_space<semaphore_mem>> -> memref<1x!tpu.dma_semaphore, #tpu.memory_space<semaphore_mem>>
    %dma_start3A_55 = tpu.memref_squeeze %dma_start3A_54 : memref<1x!tpu.dma_semaphore, #tpu.memory_space<semaphore_mem>> -> memref<!tpu.dma_semaphore, #tpu.memory_space<semaphore_mem>>
    %dma_start3A_56 = arith.constant 0 : i32
    %dma_start3A_57 = arith.constant 0 : i32
    %dma_start3A_58 = tpu.memref_slice %arg5[%dma_start3A_46, %dma_start3A_56, %dma_start3A_57] : memref<4x1x128xi32, #tpu.memory_space<vmem>> -> memref<1x1x128xi32, #tpu.memory_space<vmem>>
    %dma_start3A_59 = tpu.memref_squeeze %dma_start3A_58 : memref<1x1x128xi32, #tpu.memory_space<vmem>> -> memref<1x128xi32, #tpu.memory_space<vmem>>
    %dma_start3A_60 = arith.constant 0 : i32
    %dma_start3A_61 = tpu.memref_slice %arg3[%add3A_45, %dma_start3A_60] : memref<6400x128xi32, #tpu.memory_space<hbm>> -> memref<1x128xi32, #tpu.memory_space<hbm>>
    tpu.enqueue_dma source(%dma_start3A_61 : memref<1x128xi32, #tpu.memory_space<hbm>>) target(%dma_start3A_59 : memref<1x128xi32, #tpu.memory_space<vmem>>) target_semaphore(%dma_start3A_55 : memref<!tpu.dma_semaphore, #tpu.memory_space<semaphore_mem>>)
    %add3A_62 = arith.constant 3 : i32
    %add3A_63 = arith.addi %mul3A_2, %add3A_62 : i32
    %dma_start3A_64 = arith.constant 3 : i32
    %dma_start3A_65 = arith.constant 3 : i32
    %dma_start3A_66 = arith.constant 0 : i32
    %dma_start3A_67 = arith.constant 0 : i32
    %dma_start3A_68 = tpu.memref_slice %arg5[%dma_start3A_64, %dma_start3A_66, %dma_start3A_67] : memref<4x1x128xi32, #tpu.memory_space<vmem>> -> memref<1x1x128xi32, #tpu.memory_space<vmem>>
    %dma_start3A_69 = tpu.memref_squeeze %dma_start3A_68 : memref<1x1x128xi32, #tpu.memory_space<vmem>> -> memref<1x128xi32, #tpu.memory_space<vmem>>
    %dma_start3A_70 = arith.constant 0 : i32
    %dma_start3A_71 = tpu.memref_slice %arg3[%add3A_63, %dma_start3A_70] : memref<6400x128xi32, #tpu.memory_space<hbm>> -> memref<1x128xi32, #tpu.memory_space<hbm>>
    %dma_start3A_72 = tpu.memref_slice %arg8[%dma_start3A_65] : memref<4x!tpu.dma_semaphore, #tpu.memory_space<semaphore_mem>> -> memref<1x!tpu.dma_semaphore, #tpu.memory_space<semaphore_mem>>
    %dma_start3A_73 = tpu.memref_squeeze %dma_start3A_72 : memref<1x!tpu.dma_semaphore, #tpu.memory_space<semaphore_mem>> -> memref<!tpu.dma_semaphore, #tpu.memory_space<semaphore_mem>>
    %dma_start3A_74 = arith.constant 0 : i32
    %dma_start3A_75 = arith.constant 0 : i32
    %dma_start3A_76 = tpu.memref_slice %arg5[%dma_start3A_64, %dma_start3A_74, %dma_start3A_75] : memref<4x1x128xi32, #tpu.memory_space<vmem>> -> memref<1x1x128xi32, #tpu.memory_space<vmem>>
    %dma_start3A_77 = tpu.memref_squeeze %dma_start3A_76 : memref<1x1x128xi32, #tpu.memory_space<vmem>> -> memref<1x128xi32, #tpu.memory_space<vmem>>
    %dma_start3A_78 = arith.constant 0 : i32
    %dma_start3A_79 = tpu.memref_slice %arg3[%add3A_63, %dma_start3A_78] : memref<6400x128xi32, #tpu.memory_space<hbm>> -> memref<1x128xi32, #tpu.memory_space<hbm>>
    tpu.enqueue_dma source(%dma_start3A_79 : memref<1x128xi32, #tpu.memory_space<hbm>>) target(%dma_start3A_77 : memref<1x128xi32, #tpu.memory_space<vmem>>) target_semaphore(%dma_start3A_73 : memref<!tpu.dma_semaphore, #tpu.memory_space<semaphore_mem>>)
    %dma_wait3A = arith.constant 0 : i32
    %dma_wait3A_80 = arith.constant 0 : i32
    %dma_wait3A_81 = arith.constant 0 : i32
    %dma_wait3A_82 = arith.constant 0 : i32
    %dma_wait3A_83 = tpu.memref_slice %arg5[%dma_wait3A, %dma_wait3A_81, %dma_wait3A_82] : memref<4x1x128xi32, #tpu.memory_space<vmem>> -> memref<1x1x128xi32, #tpu.memory_space<vmem>>
    %dma_wait3A_84 = tpu.memref_squeeze %dma_wait3A_83 : memref<1x1x128xi32, #tpu.memory_space<vmem>> -> memref<1x128xi32, #tpu.memory_space<vmem>>
    %dma_wait3A_85 = arith.constant 0 : i32
    %dma_wait3A_86 = tpu.memref_slice %arg3[%mul3A_2, %dma_wait3A_85] : memref<6400x128xi32, #tpu.memory_space<hbm>> -> memref<1x128xi32, #tpu.memory_space<hbm>>
    %dma_wait3A_87 = tpu.memref_slice %arg8[%dma_wait3A_80] : memref<4x!tpu.dma_semaphore, #tpu.memory_space<semaphore_mem>> -> memref<1x!tpu.dma_semaphore, #tpu.memory_space<semaphore_mem>>
    %dma_wait3A_88 = tpu.memref_squeeze %dma_wait3A_87 : memref<1x!tpu.dma_semaphore, #tpu.memory_space<semaphore_mem>> -> memref<!tpu.dma_semaphore, #tpu.memory_space<semaphore_mem>>
    %dma_wait3A_89 = arith.constant 0 : i32
    %dma_wait3A_90 = arith.constant 0 : i32
    %dma_wait3A_91 = tpu.memref_slice %arg5[%dma_wait3A, %dma_wait3A_89, %dma_wait3A_90] : memref<4x1x128xi32, #tpu.memory_space<vmem>> -> memref<1x1x128xi32, #tpu.memory_space<vmem>>
    %dma_wait3A_92 = tpu.memref_squeeze %dma_wait3A_91 : memref<1x1x128xi32, #tpu.memory_space<vmem>> -> memref<1x128xi32, #tpu.memory_space<vmem>>
    %dma_wait3A_93 = arith.constant 0 : i32
    %dma_wait3A_94 = tpu.memref_slice %arg3[%mul3A_2, %dma_wait3A_93] : memref<6400x128xi32, #tpu.memory_space<hbm>> -> memref<1x128xi32, #tpu.memory_space<hbm>>
    tpu.wait_dma2 semaphore(%dma_wait3A_88 : memref<!tpu.dma_semaphore, #tpu.memory_space<semaphore_mem>>) src(%dma_wait3A_94 : memref<1x128xi32, #tpu.memory_space<hbm>>) dst(%dma_wait3A_92 : memref<1x128xi32, #tpu.memory_space<vmem>>)
    %dma_start3A_95 = arith.constant 0 : i32
    %dma_start3A_96 = arith.constant 0 : i32
    %dma_start3A_97 = arith.constant 0 : i32
    %dma_start3A_98 = arith.constant 0 : i32
    %dma_start3A_99 = arith.constant 0 : i32
    %dma_start3A_100 = arith.constant 0 : i32
    %dma_start3A_101 = tpu.memref_slice %arg6[%dma_start3A_97, %dma_start3A_99, %dma_start3A_100] : memref<4x128x128xf32, #tpu.memory_space<vmem>> -> memref<1x128x128xf32, #tpu.memory_space<vmem>>
    %dma_start3A_102 = tpu.memref_squeeze %dma_start3A_101 : memref<1x128x128xf32, #tpu.memory_space<vmem>> -> memref<128x128xf32, #tpu.memory_space<vmem>>
    %dma_start3A_103 = arith.constant 0 : i32
    %dma_start3A_104 = tpu.memref_slice %arg5[%dma_start3A_95, %dma_start3A_96, %dma_start3A_103] : memref<4x1x128xi32, #tpu.memory_space<vmem>> -> memref<1x1x128xi32, #tpu.memory_space<vmem>>
    %dma_start3A_105 = tpu.memref_squeeze %dma_start3A_104 : memref<1x1x128xi32, #tpu.memory_space<vmem>> -> memref<128xi32, #tpu.memory_space<vmem>>
    %dma_start3A_106 = arith.constant 0 : i32
    %dma_start3A_107 = arith.constant 0 : i32
    %dma_start3A_108 = tpu.memref_slice %arg7[%dma_start3A_106, %dma_start3A_107] : memref<3120x128xf32, #tpu.memory_space<vmem_shared>> -> memref<3120x128xf32, #tpu.memory_space<vmem_shared>>
    %dma_start3A_109 = tpu.memref_slice %arg9[%dma_start3A_98] : memref<4x!tpu.dma_semaphore, #tpu.memory_space<semaphore_mem>> -> memref<1x!tpu.dma_semaphore, #tpu.memory_space<semaphore_mem>>
    %dma_start3A_110 = tpu.memref_squeeze %dma_start3A_109 : memref<1x!tpu.dma_semaphore, #tpu.memory_space<semaphore_mem>> -> memref<!tpu.dma_semaphore, #tpu.memory_space<semaphore_mem>>
    tpu.enqueue_indirect_dma source(%dma_start3A_108 : memref<3120x128xf32, #tpu.memory_space<vmem_shared>>) target(%dma_start3A_102 : memref<128x128xf32, #tpu.memory_space<vmem>>) offsets(%dma_start3A_105 : memref<128xi32, #tpu.memory_space<vmem>>) semaphore(%dma_start3A_110 : memref<!tpu.dma_semaphore, #tpu.memory_space<semaphore_mem>>)
    %dma_wait3A_111 = arith.constant 1 : i32
    %dma_wait3A_112 = arith.constant 1 : i32
    %dma_wait3A_113 = arith.constant 0 : i32
    %dma_wait3A_114 = arith.constant 0 : i32
    %dma_wait3A_115 = tpu.memref_slice %arg5[%dma_wait3A_111, %dma_wait3A_113, %dma_wait3A_114] : memref<4x1x128xi32, #tpu.memory_space<vmem>> -> memref<1x1x128xi32, #tpu.memory_space<vmem>>
    %dma_wait3A_116 = tpu.memref_squeeze %dma_wait3A_115 : memref<1x1x128xi32, #tpu.memory_space<vmem>> -> memref<1x128xi32, #tpu.memory_space<vmem>>
    %dma_wait3A_117 = arith.constant 0 : i32
    %dma_wait3A_118 = tpu.memref_slice %arg3[%mul3A_2, %dma_wait3A_117] : memref<6400x128xi32, #tpu.memory_space<hbm>> -> memref<1x128xi32, #tpu.memory_space<hbm>>
    %dma_wait3A_119 = tpu.memref_slice %arg8[%dma_wait3A_112] : memref<4x!tpu.dma_semaphore, #tpu.memory_space<semaphore_mem>> -> memref<1x!tpu.dma_semaphore, #tpu.memory_space<semaphore_mem>>
    %dma_wait3A_120 = tpu.memref_squeeze %dma_wait3A_119 : memref<1x!tpu.dma_semaphore, #tpu.memory_space<semaphore_mem>> -> memref<!tpu.dma_semaphore, #tpu.memory_space<semaphore_mem>>
    %dma_wait3A_121 = arith.constant 0 : i32
    %dma_wait3A_122 = arith.constant 0 : i32
    %dma_wait3A_123 = tpu.memref_slice %arg5[%dma_wait3A_111, %dma_wait3A_121, %dma_wait3A_122] : memref<4x1x128xi32, #tpu.memory_space<vmem>> -> memref<1x1x128xi32, #tpu.memory_space<vmem>>
    %dma_wait3A_124 = tpu.memref_squeeze %dma_wait3A_123 : memref<1x1x128xi32, #tpu.memory_space<vmem>> -> memref<1x128xi32, #tpu.memory_space<vmem>>
    %dma_wait3A_125 = arith.constant 0 : i32
    %dma_wait3A_126 = tpu.memref_slice %arg3[%mul3A_2, %dma_wait3A_125] : memref<6400x128xi32, #tpu.memory_space<hbm>> -> memref<1x128xi32, #tpu.memory_space<hbm>>
    tpu.wait_dma2 semaphore(%dma_wait3A_120 : memref<!tpu.dma_semaphore, #tpu.memory_space<semaphore_mem>>) src(%dma_wait3A_126 : memref<1x128xi32, #tpu.memory_space<hbm>>) dst(%dma_wait3A_124 : memref<1x128xi32, #tpu.memory_space<vmem>>)
    %dma_start3A_127 = arith.constant 1 : i32
    %dma_start3A_128 = arith.constant 0 : i32
    %dma_start3A_129 = arith.constant 1 : i32
    %dma_start3A_130 = arith.constant 1 : i32
    %dma_start3A_131 = arith.constant 0 : i32
    %dma_start3A_132 = arith.constant 0 : i32
    %dma_start3A_133 = tpu.memref_slice %arg6[%dma_start3A_129, %dma_start3A_131, %dma_start3A_132] : memref<4x128x128xf32, #tpu.memory_space<vmem>> -> memref<1x128x128xf32, #tpu.memory_space<vmem>>
    %dma_start3A_134 = tpu.memref_squeeze %dma_start3A_133 : memref<1x128x128xf32, #tpu.memory_space<vmem>> -> memref<128x128xf32, #tpu.memory_space<vmem>>
    %dma_start3A_135 = arith.constant 0 : i32
    %dma_start3A_136 = tpu.memref_slice %arg5[%dma_start3A_127, %dma_start3A_128, %dma_start3A_135] : memref<4x1x128xi32, #tpu.memory_space<vmem>> -> memref<1x1x128xi32, #tpu.memory_space<vmem>>
    %dma_start3A_137 = tpu.memref_squeeze %dma_start3A_136 : memref<1x1x128xi32, #tpu.memory_space<vmem>> -> memref<128xi32, #tpu.memory_space<vmem>>
    %dma_start3A_138 = arith.constant 0 : i32
    %dma_start3A_139 = arith.constant 0 : i32
    %dma_start3A_140 = tpu.memref_slice %arg7[%dma_start3A_138, %dma_start3A_139] : memref<3120x128xf32, #tpu.memory_space<vmem_shared>> -> memref<3120x128xf32, #tpu.memory_space<vmem_shared>>
    %dma_start3A_141 = tpu.memref_slice %arg9[%dma_start3A_130] : memref<4x!tpu.dma_semaphore, #tpu.memory_space<semaphore_mem>> -> memref<1x!tpu.dma_semaphore, #tpu.memory_space<semaphore_mem>>
    %dma_start3A_142 = tpu.memref_squeeze %dma_start3A_141 : memref<1x!tpu.dma_semaphore, #tpu.memory_space<semaphore_mem>> -> memref<!tpu.dma_semaphore, #tpu.memory_space<semaphore_mem>>
    tpu.enqueue_indirect_dma source(%dma_start3A_140 : memref<3120x128xf32, #tpu.memory_space<vmem_shared>>) target(%dma_start3A_134 : memref<128x128xf32, #tpu.memory_space<vmem>>) offsets(%dma_start3A_137 : memref<128xi32, #tpu.memory_space<vmem>>) semaphore(%dma_start3A_142 : memref<!tpu.dma_semaphore, #tpu.memory_space<semaphore_mem>>)
    %scan3A = arith.constant 0 : i32
    %scan3A_143 = arith.constant 0 : i32
    %scan3A_144 = arith.constant 50 : i32
    %scan3A_145 = arith.addi %scan3A_143, %scan3A_144 : i32
    %scan3A_146 = arith.constant 1 : i32
    %scan3A_147 = scf.for %scan3A_185 = %scan3A_143 to %scan3A_145 step %scan3A_146 iter_args(%scan3A_186 = %scan3A) -> (i32)  : i32 {
      %mul3A_187 = arith.constant 4 : i32
      %mul3A_188 = arith.muli %scan3A_185, %mul3A_187 : i32
      %add3A_189 = arith.constant 0 : i32
      %add3A_190 = arith.addi %mul3A_188, %add3A_189 : i32
      %dma_wait3A_191 = arith.constant 0 : i32
      %dma_wait3A_192 = arith.constant 0 : i32
      %dma_wait3A_193 = arith.constant 0 : i32
      %dma_wait3A_194 = arith.constant 0 : i32
      %dma_wait3A_195 = arith.constant 0 : i32
      %dma_wait3A_196 = arith.constant 0 : i32
      %dma_wait3A_197 = tpu.memref_slice %arg6[%dma_wait3A_193, %dma_wait3A_195, %dma_wait3A_196] : memref<4x128x128xf32, #tpu.memory_space<vmem>> -> memref<1x128x128xf32, #tpu.memory_space<vmem>>
      %dma_wait3A_198 = tpu.memref_squeeze %dma_wait3A_197 : memref<1x128x128xf32, #tpu.memory_space<vmem>> -> memref<128x128xf32, #tpu.memory_space<vmem>>
      %dma_wait3A_199 = arith.constant 0 : i32
      %dma_wait3A_200 = tpu.memref_slice %arg5[%dma_wait3A_191, %dma_wait3A_192, %dma_wait3A_199] : memref<4x1x128xi32, #tpu.memory_space<vmem>> -> memref<1x1x128xi32, #tpu.memory_space<vmem>>
      %dma_wait3A_201 = tpu.memref_squeeze %dma_wait3A_200 : memref<1x1x128xi32, #tpu.memory_space<vmem>> -> memref<128xi32, #tpu.memory_space<vmem>>
      %dma_wait3A_202 = arith.constant 0 : i32
      %dma_wait3A_203 = arith.constant 0 : i32
      %dma_wait3A_204 = tpu.memref_slice %arg7[%dma_wait3A_202, %dma_wait3A_203] : memref<3120x128xf32, #tpu.memory_space<vmem_shared>> -> memref<3120x128xf32, #tpu.memory_space<vmem_shared>>
      %dma_wait3A_205 = tpu.memref_slice %arg9[%dma_wait3A_194] : memref<4x!tpu.dma_semaphore, #tpu.memory_space<semaphore_mem>> -> memref<1x!tpu.dma_semaphore, #tpu.memory_space<semaphore_mem>>
      %dma_wait3A_206 = tpu.memref_squeeze %dma_wait3A_205 : memref<1x!tpu.dma_semaphore, #tpu.memory_space<semaphore_mem>> -> memref<!tpu.dma_semaphore, #tpu.memory_space<semaphore_mem>>
      tpu.wait_indirect_dma semaphore(%dma_wait3A_206 : memref<!tpu.dma_semaphore, #tpu.memory_space<semaphore_mem>>) src(%dma_wait3A_204 : memref<3120x128xf32, #tpu.memory_space<vmem_shared>>) dst(%dma_wait3A_198 : memref<128x128xf32, #tpu.memory_space<vmem>>)
      %mul3A_207 = arith.constant 128 : i32
      %mul3A_208 = arith.muli %mul3A_2, %mul3A_207 : i32
      %mul3A_209 = arith.constant 128 : i32
      %mul3A_210 = arith.muli %add3A_190, %mul3A_209 : i32
      %add3A_211 = arith.addi %mul3A_208, %mul3A_210 : i32
      %dma_start3A_212 = arith.constant 0 : i32
      %dma_start3A_213 = arith.constant 0 : i32
      %dma_start3A_214 = arith.constant 0 : i32
      %dma_start3A_215 = arith.constant 0 : i32
      %dma_start3A_216 = tpu.memref_slice %arg6[%dma_start3A_212, %dma_start3A_214, %dma_start3A_215] : memref<4x128x128xf32, #tpu.memory_space<vmem>> -> memref<1x128x128xf32, #tpu.memory_space<vmem>>
      %dma_start3A_217 = tpu.memref_squeeze %dma_start3A_216 : memref<1x128x128xf32, #tpu.memory_space<vmem>> -> memref<128x128xf32, #tpu.memory_space<vmem>>
      %dma_start3A_218 = arith.constant 0 : i32
      %dma_start3A_219 = tpu.memref_slice %arg4[%add3A_211, %dma_start3A_218] : memref<819200x128xf32, #tpu.memory_space<hbm>> -> memref<128x128xf32, #tpu.memory_space<hbm>>
      %dma_start3A_220 = tpu.memref_slice %arg10[%dma_start3A_213] : memref<4x!tpu.dma_semaphore, #tpu.memory_space<semaphore_mem>> -> memref<1x!tpu.dma_semaphore, #tpu.memory_space<semaphore_mem>>
      %dma_start3A_221 = tpu.memref_squeeze %dma_start3A_220 : memref<1x!tpu.dma_semaphore, #tpu.memory_space<semaphore_mem>> -> memref<!tpu.dma_semaphore, #tpu.memory_space<semaphore_mem>>
      %dma_start3A_222 = arith.constant 0 : i32
      %dma_start3A_223 = tpu.memref_slice %arg4[%add3A_211, %dma_start3A_222] : memref<819200x128xf32, #tpu.memory_space<hbm>> -> memref<128x128xf32, #tpu.memory_space<hbm>>
      %dma_start3A_224 = arith.constant 0 : i32
      %dma_start3A_225 = arith.constant 0 : i32
      %dma_start3A_226 = tpu.memref_slice %arg6[%dma_start3A_212, %dma_start3A_224, %dma_start3A_225] : memref<4x128x128xf32, #tpu.memory_space<vmem>> -> memref<1x128x128xf32, #tpu.memory_space<vmem>>
      %dma_start3A_227 = tpu.memref_squeeze %dma_start3A_226 : memref<1x128x128xf32, #tpu.memory_space<vmem>> -> memref<128x128xf32, #tpu.memory_space<vmem>>
      tpu.enqueue_dma source(%dma_start3A_227 : memref<128x128xf32, #tpu.memory_space<vmem>>) target(%dma_start3A_223 : memref<128x128xf32, #tpu.memory_space<hbm>>) target_semaphore(%dma_start3A_221 : memref<!tpu.dma_semaphore, #tpu.memory_space<semaphore_mem>>)
      %ge3A = arith.constant 2 : i32
      %ge3A_228 = arith.cmpi sge, %add3A_190, %ge3A : i32
      %convert_element_type3A_229 = arith.extui %ge3A_228 : i1 to i32
      %cond3A_230 = arith.constant 0 : i32
      %cond3A_231 = arith.cmpi ne, %convert_element_type3A_229, %cond3A_230 : i32
      scf.if %cond3A_231 {
        %mul3A_426 = arith.constant 128 : i32
        %mul3A_427 = arith.muli %mul3A_2, %mul3A_426 : i32
        %dma_wait3A_428 = arith.constant 2 : i32
        %dma_wait3A_429 = arith.constant 2 : i32
        %dma_wait3A_430 = arith.constant 0 : i32
        %dma_wait3A_431 = arith.constant 0 : i32
        %dma_wait3A_432 = tpu.memref_slice %arg6[%dma_wait3A_428, %dma_wait3A_430, %dma_wait3A_431] : memref<4x128x128xf32, #tpu.memory_space<vmem>> -> memref<1x128x128xf32, #tpu.memory_space<vmem>>
        %dma_wait3A_433 = tpu.memref_squeeze %dma_wait3A_432 : memref<1x128x128xf32, #tpu.memory_space<vmem>> -> memref<128x128xf32, #tpu.memory_space<vmem>>
        %dma_wait3A_434 = arith.constant 0 : i32
        %dma_wait3A_435 = tpu.memref_slice %arg4[%mul3A_427, %dma_wait3A_434] : memref<819200x128xf32, #tpu.memory_space<hbm>> -> memref<128x128xf32, #tpu.memory_space<hbm>>
        %dma_wait3A_436 = tpu.memref_slice %arg10[%dma_wait3A_429] : memref<4x!tpu.dma_semaphore, #tpu.memory_space<semaphore_mem>> -> memref<1x!tpu.dma_semaphore, #tpu.memory_space<semaphore_mem>>
        %dma_wait3A_437 = tpu.memref_squeeze %dma_wait3A_436 : memref<1x!tpu.dma_semaphore, #tpu.memory_space<semaphore_mem>> -> memref<!tpu.dma_semaphore, #tpu.memory_space<semaphore_mem>>
        %dma_wait3A_438 = arith.constant 0 : i32
        %dma_wait3A_439 = tpu.memref_slice %arg4[%mul3A_427, %dma_wait3A_438] : memref<819200x128xf32, #tpu.memory_space<hbm>> -> memref<128x128xf32, #tpu.memory_space<hbm>>
        %dma_wait3A_440 = arith.constant 0 : i32
        %dma_wait3A_441 = arith.constant 0 : i32
        %dma_wait3A_442 = tpu.memref_slice %arg6[%dma_wait3A_428, %dma_wait3A_440, %dma_wait3A_441] : memref<4x128x128xf32, #tpu.memory_space<vmem>> -> memref<1x128x128xf32, #tpu.memory_space<vmem>>
        %dma_wait3A_443 = tpu.memref_squeeze %dma_wait3A_442 : memref<1x128x128xf32, #tpu.memory_space<vmem>> -> memref<128x128xf32, #tpu.memory_space<vmem>>
        tpu.wait_dma2 semaphore(%dma_wait3A_437 : memref<!tpu.dma_semaphore, #tpu.memory_space<semaphore_mem>>) src(%dma_wait3A_443 : memref<128x128xf32, #tpu.memory_space<vmem>>) dst(%dma_wait3A_439 : memref<128x128xf32, #tpu.memory_space<hbm>>)
      } else {
      }
      %add3A_232 = arith.constant 2 : i32
      %add3A_233 = arith.addi %add3A_190, %add3A_232 : i32
      %lt3A = arith.constant 200 : i32
      %lt3A_234 = arith.cmpi slt, %add3A_233, %lt3A : i32
      %convert_element_type3A_235 = arith.extui %lt3A_234 : i1 to i32
      %cond3A_236 = arith.constant 0 : i32
      %cond3A_237 = arith.cmpi ne, %convert_element_type3A_235, %cond3A_236 : i32
      scf.if %cond3A_237 {
        %dma_wait3A_426 = arith.constant 2 : i32
        %dma_wait3A_427 = arith.constant 2 : i32
        %dma_wait3A_428 = arith.constant 0 : i32
        %dma_wait3A_429 = arith.constant 0 : i32
        %dma_wait3A_430 = tpu.memref_slice %arg5[%dma_wait3A_426, %dma_wait3A_428, %dma_wait3A_429] : memref<4x1x128xi32, #tpu.memory_space<vmem>> -> memref<1x1x128xi32, #tpu.memory_space<vmem>>
        %dma_wait3A_431 = tpu.memref_squeeze %dma_wait3A_430 : memref<1x1x128xi32, #tpu.memory_space<vmem>> -> memref<1x128xi32, #tpu.memory_space<vmem>>
        %dma_wait3A_432 = arith.constant 0 : i32
        %dma_wait3A_433 = tpu.memref_slice %arg3[%mul3A_2, %dma_wait3A_432] : memref<6400x128xi32, #tpu.memory_space<hbm>> -> memref<1x128xi32, #tpu.memory_space<hbm>>
        %dma_wait3A_434 = tpu.memref_slice %arg8[%dma_wait3A_427] : memref<4x!tpu.dma_semaphore, #tpu.memory_space<semaphore_mem>> -> memref<1x!tpu.dma_semaphore, #tpu.memory_space<semaphore_mem>>
        %dma_wait3A_435 = tpu.memref_squeeze %dma_wait3A_434 : memref<1x!tpu.dma_semaphore, #tpu.memory_space<semaphore_mem>> -> memref<!tpu.dma_semaphore, #tpu.memory_space<semaphore_mem>>
        %dma_wait3A_436 = arith.constant 0 : i32
        %dma_wait3A_437 = arith.constant 0 : i32
        %dma_wait3A_438 = tpu.memref_slice %arg5[%dma_wait3A_426, %dma_wait3A_436, %dma_wait3A_437] : memref<4x1x128xi32, #tpu.memory_space<vmem>> -> memref<1x1x128xi32, #tpu.memory_space<vmem>>
        %dma_wait3A_439 = tpu.memref_squeeze %dma_wait3A_438 : memref<1x1x128xi32, #tpu.memory_space<vmem>> -> memref<1x128xi32, #tpu.memory_space<vmem>>
        %dma_wait3A_440 = arith.constant 0 : i32
        %dma_wait3A_441 = tpu.memref_slice %arg3[%mul3A_2, %dma_wait3A_440] : memref<6400x128xi32, #tpu.memory_space<hbm>> -> memref<1x128xi32, #tpu.memory_space<hbm>>
        tpu.wait_dma2 semaphore(%dma_wait3A_435 : memref<!tpu.dma_semaphore, #tpu.memory_space<semaphore_mem>>) src(%dma_wait3A_441 : memref<1x128xi32, #tpu.memory_space<hbm>>) dst(%dma_wait3A_439 : memref<1x128xi32, #tpu.memory_space<vmem>>)
        %dma_start3A_442 = arith.constant 2 : i32
        %dma_start3A_443 = arith.constant 0 : i32
        %dma_start3A_444 = arith.constant 2 : i32
        %dma_start3A_445 = arith.constant 2 : i32
        %dma_start3A_446 = arith.constant 0 : i32
        %dma_start3A_447 = arith.constant 0 : i32
        %dma_start3A_448 = tpu.memref_slice %arg6[%dma_start3A_444, %dma_start3A_446, %dma_start3A_447] : memref<4x128x128xf32, #tpu.memory_space<vmem>> -> memref<1x128x128xf32, #tpu.memory_space<vmem>>
        %dma_start3A_449 = tpu.memref_squeeze %dma_start3A_448 : memref<1x128x128xf32, #tpu.memory_space<vmem>> -> memref<128x128xf32, #tpu.memory_space<vmem>>
        %dma_start3A_450 = arith.constant 0 : i32
        %dma_start3A_451 = tpu.memref_slice %arg5[%dma_start3A_442, %dma_start3A_443, %dma_start3A_450] : memref<4x1x128xi32, #tpu.memory_space<vmem>> -> memref<1x1x128xi32, #tpu.memory_space<vmem>>
        %dma_start3A_452 = tpu.memref_squeeze %dma_start3A_451 : memref<1x1x128xi32, #tpu.memory_space<vmem>> -> memref<128xi32, #tpu.memory_space<vmem>>
        %dma_start3A_453 = arith.constant 0 : i32
        %dma_start3A_454 = arith.constant 0 : i32
        %dma_start3A_455 = tpu.memref_slice %arg7[%dma_start3A_453, %dma_start3A_454] : memref<3120x128xf32, #tpu.memory_space<vmem_shared>> -> memref<3120x128xf32, #tpu.memory_space<vmem_shared>>
        %dma_start3A_456 = tpu.memref_slice %arg9[%dma_start3A_445] : memref<4x!tpu.dma_semaphore, #tpu.memory_space<semaphore_mem>> -> memref<1x!tpu.dma_semaphore, #tpu.memory_space<semaphore_mem>>
        %dma_start3A_457 = tpu.memref_squeeze %dma_start3A_456 : memref<1x!tpu.dma_semaphore, #tpu.memory_space<semaphore_mem>> -> memref<!tpu.dma_semaphore, #tpu.memory_space<semaphore_mem>>
        tpu.enqueue_indirect_dma source(%dma_start3A_455 : memref<3120x128xf32, #tpu.memory_space<vmem_shared>>) target(%dma_start3A_449 : memref<128x128xf32, #tpu.memory_space<vmem>>) offsets(%dma_start3A_452 : memref<128xi32, #tpu.memory_space<vmem>>) semaphore(%dma_start3A_457 : memref<!tpu.dma_semaphore, #tpu.memory_space<semaphore_mem>>)
      } else {
      }
      %add3A_238 = arith.constant 4 : i32
      %add3A_239 = arith.addi %add3A_190, %add3A_238 : i32
      %lt3A_240 = arith.constant 200 : i32
      %lt3A_241 = arith.cmpi slt, %add3A_239, %lt3A_240 : i32
      %convert_element_type3A_242 = arith.extui %lt3A_241 : i1 to i32
      %cond3A_243 = arith.constant 0 : i32
      %cond3A_244 = arith.cmpi ne, %convert_element_type3A_242, %cond3A_243 : i32
      scf.if %cond3A_244 {
        %add3A_426 = arith.constant 4 : i32
        %add3A_427 = arith.addi %add3A_190, %add3A_426 : i32
        %add3A_428 = arith.addi %mul3A_2, %add3A_427 : i32
        %dma_start3A_429 = arith.constant 0 : i32
        %dma_start3A_430 = arith.constant 0 : i32
        %dma_start3A_431 = arith.constant 0 : i32
        %dma_start3A_432 = arith.constant 0 : i32
        %dma_start3A_433 = tpu.memref_slice %arg5[%dma_start3A_429, %dma_start3A_431, %dma_start3A_432] : memref<4x1x128xi32, #tpu.memory_space<vmem>> -> memref<1x1x128xi32, #tpu.memory_space<vmem>>
        %dma_start3A_434 = tpu.memref_squeeze %dma_start3A_433 : memref<1x1x128xi32, #tpu.memory_space<vmem>> -> memref<1x128xi32, #tpu.memory_space<vmem>>
        %dma_start3A_435 = arith.constant 0 : i32
        %dma_start3A_436 = tpu.memref_slice %arg3[%add3A_428, %dma_start3A_435] : memref<6400x128xi32, #tpu.memory_space<hbm>> -> memref<1x128xi32, #tpu.memory_space<hbm>>
        %dma_start3A_437 = tpu.memref_slice %arg8[%dma_start3A_430] : memref<4x!tpu.dma_semaphore, #tpu.memory_space<semaphore_mem>> -> memref<1x!tpu.dma_semaphore, #tpu.memory_space<semaphore_mem>>
        %dma_start3A_438 = tpu.memref_squeeze %dma_start3A_437 : memref<1x!tpu.dma_semaphore, #tpu.memory_space<semaphore_mem>> -> memref<!tpu.dma_semaphore, #tpu.memory_space<semaphore_mem>>
        %dma_start3A_439 = arith.constant 0 : i32
        %dma_start3A_440 = arith.constant 0 : i32
        %dma_start3A_441 = tpu.memref_slice %arg5[%dma_start3A_429, %dma_start3A_439, %dma_start3A_440] : memref<4x1x128xi32, #tpu.memory_space<vmem>> -> memref<1x1x128xi32, #tpu.memory_space<vmem>>
        %dma_start3A_442 = tpu.memref_squeeze %dma_start3A_441 : memref<1x1x128xi32, #tpu.memory_space<vmem>> -> memref<1x128xi32, #tpu.memory_space<vmem>>
        %dma_start3A_443 = arith.constant 0 : i32
        %dma_start3A_444 = tpu.memref_slice %arg3[%add3A_428, %dma_start3A_443] : memref<6400x128xi32, #tpu.memory_space<hbm>> -> memref<1x128xi32, #tpu.memory_space<hbm>>
        tpu.enqueue_dma source(%dma_start3A_444 : memref<1x128xi32, #tpu.memory_space<hbm>>) target(%dma_start3A_442 : memref<1x128xi32, #tpu.memory_space<vmem>>) target_semaphore(%dma_start3A_438 : memref<!tpu.dma_semaphore, #tpu.memory_space<semaphore_mem>>)
      } else {
      }
      %mul3A_245 = arith.constant 4 : i32
      %mul3A_246 = arith.muli %scan3A_185, %mul3A_245 : i32
      %add3A_247 = arith.constant 1 : i32
      %add3A_248 = arith.addi %mul3A_246, %add3A_247 : i32
      %dma_wait3A_249 = arith.constant 1 : i32
      %dma_wait3A_250 = arith.constant 0 : i32
      %dma_wait3A_251 = arith.constant 1 : i32
      %dma_wait3A_252 = arith.constant 1 : i32
      %dma_wait3A_253 = arith.constant 0 : i32
      %dma_wait3A_254 = arith.constant 0 : i32
      %dma_wait3A_255 = tpu.memref_slice %arg6[%dma_wait3A_251, %dma_wait3A_253, %dma_wait3A_254] : memref<4x128x128xf32, #tpu.memory_space<vmem>> -> memref<1x128x128xf32, #tpu.memory_space<vmem>>
      %dma_wait3A_256 = tpu.memref_squeeze %dma_wait3A_255 : memref<1x128x128xf32, #tpu.memory_space<vmem>> -> memref<128x128xf32, #tpu.memory_space<vmem>>
      %dma_wait3A_257 = arith.constant 0 : i32
      %dma_wait3A_258 = tpu.memref_slice %arg5[%dma_wait3A_249, %dma_wait3A_250, %dma_wait3A_257] : memref<4x1x128xi32, #tpu.memory_space<vmem>> -> memref<1x1x128xi32, #tpu.memory_space<vmem>>
      %dma_wait3A_259 = tpu.memref_squeeze %dma_wait3A_258 : memref<1x1x128xi32, #tpu.memory_space<vmem>> -> memref<128xi32, #tpu.memory_space<vmem>>
      %dma_wait3A_260 = arith.constant 0 : i32
      %dma_wait3A_261 = arith.constant 0 : i32
      %dma_wait3A_262 = tpu.memref_slice %arg7[%dma_wait3A_260, %dma_wait3A_261] : memref<3120x128xf32, #tpu.memory_space<vmem_shared>> -> memref<3120x128xf32, #tpu.memory_space<vmem_shared>>
      %dma_wait3A_263 = tpu.memref_slice %arg9[%dma_wait3A_252] : memref<4x!tpu.dma_semaphore, #tpu.memory_space<semaphore_mem>> -> memref<1x!tpu.dma_semaphore, #tpu.memory_space<semaphore_mem>>
      %dma_wait3A_264 = tpu.memref_squeeze %dma_wait3A_263 : memref<1x!tpu.dma_semaphore, #tpu.memory_space<semaphore_mem>> -> memref<!tpu.dma_semaphore, #tpu.memory_space<semaphore_mem>>
      tpu.wait_indirect_dma semaphore(%dma_wait3A_264 : memref<!tpu.dma_semaphore, #tpu.memory_space<semaphore_mem>>) src(%dma_wait3A_262 : memref<3120x128xf32, #tpu.memory_space<vmem_shared>>) dst(%dma_wait3A_256 : memref<128x128xf32, #tpu.memory_space<vmem>>)
      %mul3A_265 = arith.constant 128 : i32
      %mul3A_266 = arith.muli %mul3A_2, %mul3A_265 : i32
      %mul3A_267 = arith.constant 128 : i32
      %mul3A_268 = arith.muli %add3A_248, %mul3A_267 : i32
      %add3A_269 = arith.addi %mul3A_266, %mul3A_268 : i32
      %dma_start3A_270 = arith.constant 1 : i32
      %dma_start3A_271 = arith.constant 1 : i32
      %dma_start3A_272 = arith.constant 0 : i32
      %dma_start3A_273 = arith.constant 0 : i32
      %dma_start3A_274 = tpu.memref_slice %arg6[%dma_start3A_270, %dma_start3A_272, %dma_start3A_273] : memref<4x128x128xf32, #tpu.memory_space<vmem>> -> memref<1x128x128xf32, #tpu.memory_space<vmem>>
      %dma_start3A_275 = tpu.memref_squeeze %dma_start3A_274 : memref<1x128x128xf32, #tpu.memory_space<vmem>> -> memref<128x128xf32, #tpu.memory_space<vmem>>
      %dma_start3A_276 = arith.constant 0 : i32
      %dma_start3A_277 = tpu.memref_slice %arg4[%add3A_269, %dma_start3A_276] : memref<819200x128xf32, #tpu.memory_space<hbm>> -> memref<128x128xf32, #tpu.memory_space<hbm>>
      %dma_start3A_278 = tpu.memref_slice %arg10[%dma_start3A_271] : memref<4x!tpu.dma_semaphore, #tpu.memory_space<semaphore_mem>> -> memref<1x!tpu.dma_semaphore, #tpu.memory_space<semaphore_mem>>
      %dma_start3A_279 = tpu.memref_squeeze %dma_start3A_278 : memref<1x!tpu.dma_semaphore, #tpu.memory_space<semaphore_mem>> -> memref<!tpu.dma_semaphore, #tpu.memory_space<semaphore_mem>>
      %dma_start3A_280 = arith.constant 0 : i32
      %dma_start3A_281 = tpu.memref_slice %arg4[%add3A_269, %dma_start3A_280] : memref<819200x128xf32, #tpu.memory_space<hbm>> -> memref<128x128xf32, #tpu.memory_space<hbm>>
      %dma_start3A_282 = arith.constant 0 : i32
      %dma_start3A_283 = arith.constant 0 : i32
      %dma_start3A_284 = tpu.memref_slice %arg6[%dma_start3A_270, %dma_start3A_282, %dma_start3A_283] : memref<4x128x128xf32, #tpu.memory_space<vmem>> -> memref<1x128x128xf32, #tpu.memory_space<vmem>>
      %dma_start3A_285 = tpu.memref_squeeze %dma_start3A_284 : memref<1x128x128xf32, #tpu.memory_space<vmem>> -> memref<128x128xf32, #tpu.memory_space<vmem>>
      tpu.enqueue_dma source(%dma_start3A_285 : memref<128x128xf32, #tpu.memory_space<vmem>>) target(%dma_start3A_281 : memref<128x128xf32, #tpu.memory_space<hbm>>) target_semaphore(%dma_start3A_279 : memref<!tpu.dma_semaphore, #tpu.memory_space<semaphore_mem>>)
      %ge3A_286 = arith.constant 2 : i32
      %ge3A_287 = arith.cmpi sge, %add3A_248, %ge3A_286 : i32
      %convert_element_type3A_288 = arith.extui %ge3A_287 : i1 to i32
      %cond3A_289 = arith.constant 0 : i32
      %cond3A_290 = arith.cmpi ne, %convert_element_type3A_288, %cond3A_289 : i32
      scf.if %cond3A_290 {
        %mul3A_426 = arith.constant 128 : i32
        %mul3A_427 = arith.muli %mul3A_2, %mul3A_426 : i32
        %dma_wait3A_428 = arith.constant 3 : i32
        %dma_wait3A_429 = arith.constant 3 : i32
        %dma_wait3A_430 = arith.constant 0 : i32
        %dma_wait3A_431 = arith.constant 0 : i32
        %dma_wait3A_432 = tpu.memref_slice %arg6[%dma_wait3A_428, %dma_wait3A_430, %dma_wait3A_431] : memref<4x128x128xf32, #tpu.memory_space<vmem>> -> memref<1x128x128xf32, #tpu.memory_space<vmem>>
        %dma_wait3A_433 = tpu.memref_squeeze %dma_wait3A_432 : memref<1x128x128xf32, #tpu.memory_space<vmem>> -> memref<128x128xf32, #tpu.memory_space<vmem>>
        %dma_wait3A_434 = arith.constant 0 : i32
        %dma_wait3A_435 = tpu.memref_slice %arg4[%mul3A_427, %dma_wait3A_434] : memref<819200x128xf32, #tpu.memory_space<hbm>> -> memref<128x128xf32, #tpu.memory_space<hbm>>
        %dma_wait3A_436 = tpu.memref_slice %arg10[%dma_wait3A_429] : memref<4x!tpu.dma_semaphore, #tpu.memory_space<semaphore_mem>> -> memref<1x!tpu.dma_semaphore, #tpu.memory_space<semaphore_mem>>
        %dma_wait3A_437 = tpu.memref_squeeze %dma_wait3A_436 : memref<1x!tpu.dma_semaphore, #tpu.memory_space<semaphore_mem>> -> memref<!tpu.dma_semaphore, #tpu.memory_space<semaphore_mem>>
        %dma_wait3A_438 = arith.constant 0 : i32
        %dma_wait3A_439 = tpu.memref_slice %arg4[%mul3A_427, %dma_wait3A_438] : memref<819200x128xf32, #tpu.memory_space<hbm>> -> memref<128x128xf32, #tpu.memory_space<hbm>>
        %dma_wait3A_440 = arith.constant 0 : i32
        %dma_wait3A_441 = arith.constant 0 : i32
        %dma_wait3A_442 = tpu.memref_slice %arg6[%dma_wait3A_428, %dma_wait3A_440, %dma_wait3A_441] : memref<4x128x128xf32, #tpu.memory_space<vmem>> -> memref<1x128x128xf32, #tpu.memory_space<vmem>>
        %dma_wait3A_443 = tpu.memref_squeeze %dma_wait3A_442 : memref<1x128x128xf32, #tpu.memory_space<vmem>> -> memref<128x128xf32, #tpu.memory_space<vmem>>
        tpu.wait_dma2 semaphore(%dma_wait3A_437 : memref<!tpu.dma_semaphore, #tpu.memory_space<semaphore_mem>>) src(%dma_wait3A_443 : memref<128x128xf32, #tpu.memory_space<vmem>>) dst(%dma_wait3A_439 : memref<128x128xf32, #tpu.memory_space<hbm>>)
      } else {
      }
      %add3A_291 = arith.constant 2 : i32
      %add3A_292 = arith.addi %add3A_248, %add3A_291 : i32
      %lt3A_293 = arith.constant 200 : i32
      %lt3A_294 = arith.cmpi slt, %add3A_292, %lt3A_293 : i32
      %convert_element_type3A_295 = arith.extui %lt3A_294 : i1 to i32
      %cond3A_296 = arith.constant 0 : i32
      %cond3A_297 = arith.cmpi ne, %convert_element_type3A_295, %cond3A_296 : i32
      scf.if %cond3A_297 {
        %dma_wait3A_426 = arith.constant 3 : i32
        %dma_wait3A_427 = arith.constant 3 : i32
        %dma_wait3A_428 = arith.constant 0 : i32
        %dma_wait3A_429 = arith.constant 0 : i32
        %dma_wait3A_430 = tpu.memref_slice %arg5[%dma_wait3A_426, %dma_wait3A_428, %dma_wait3A_429] : memref<4x1x128xi32, #tpu.memory_space<vmem>> -> memref<1x1x128xi32, #tpu.memory_space<vmem>>
        %dma_wait3A_431 = tpu.memref_squeeze %dma_wait3A_430 : memref<1x1x128xi32, #tpu.memory_space<vmem>> -> memref<1x128xi32, #tpu.memory_space<vmem>>
        %dma_wait3A_432 = arith.constant 0 : i32
        %dma_wait3A_433 = tpu.memref_slice %arg3[%mul3A_2, %dma_wait3A_432] : memref<6400x128xi32, #tpu.memory_space<hbm>> -> memref<1x128xi32, #tpu.memory_space<hbm>>
        %dma_wait3A_434 = tpu.memref_slice %arg8[%dma_wait3A_427] : memref<4x!tpu.dma_semaphore, #tpu.memory_space<semaphore_mem>> -> memref<1x!tpu.dma_semaphore, #tpu.memory_space<semaphore_mem>>
        %dma_wait3A_435 = tpu.memref_squeeze %dma_wait3A_434 : memref<1x!tpu.dma_semaphore, #tpu.memory_space<semaphore_mem>> -> memref<!tpu.dma_semaphore, #tpu.memory_space<semaphore_mem>>
        %dma_wait3A_436 = arith.constant 0 : i32
        %dma_wait3A_437 = arith.constant 0 : i32
        %dma_wait3A_438 = tpu.memref_slice %arg5[%dma_wait3A_426, %dma_wait3A_436, %dma_wait3A_437] : memref<4x1x128xi32, #tpu.memory_space<vmem>> -> memref<1x1x128xi32, #tpu.memory_space<vmem>>
        %dma_wait3A_439 = tpu.memref_squeeze %dma_wait3A_438 : memref<1x1x128xi32, #tpu.memory_space<vmem>> -> memref<1x128xi32, #tpu.memory_space<vmem>>
        %dma_wait3A_440 = arith.constant 0 : i32
        %dma_wait3A_441 = tpu.memref_slice %arg3[%mul3A_2, %dma_wait3A_440] : memref<6400x128xi32, #tpu.memory_space<hbm>> -> memref<1x128xi32, #tpu.memory_space<hbm>>
        tpu.wait_dma2 semaphore(%dma_wait3A_435 : memref<!tpu.dma_semaphore, #tpu.memory_space<semaphore_mem>>) src(%dma_wait3A_441 : memref<1x128xi32, #tpu.memory_space<hbm>>) dst(%dma_wait3A_439 : memref<1x128xi32, #tpu.memory_space<vmem>>)
        %dma_start3A_442 = arith.constant 3 : i32
        %dma_start3A_443 = arith.constant 0 : i32
        %dma_start3A_444 = arith.constant 3 : i32
        %dma_start3A_445 = arith.constant 3 : i32
        %dma_start3A_446 = arith.constant 0 : i32
        %dma_start3A_447 = arith.constant 0 : i32
        %dma_start3A_448 = tpu.memref_slice %arg6[%dma_start3A_444, %dma_start3A_446, %dma_start3A_447] : memref<4x128x128xf32, #tpu.memory_space<vmem>> -> memref<1x128x128xf32, #tpu.memory_space<vmem>>
        %dma_start3A_449 = tpu.memref_squeeze %dma_start3A_448 : memref<1x128x128xf32, #tpu.memory_space<vmem>> -> memref<128x128xf32, #tpu.memory_space<vmem>>
        %dma_start3A_450 = arith.constant 0 : i32
        %dma_start3A_451 = tpu.memref_slice %arg5[%dma_start3A_442, %dma_start3A_443, %dma_start3A_450] : memref<4x1x128xi32, #tpu.memory_space<vmem>> -> memref<1x1x128xi32, #tpu.memory_space<vmem>>
        %dma_start3A_452 = tpu.memref_squeeze %dma_start3A_451 : memref<1x1x128xi32, #tpu.memory_space<vmem>> -> memref<128xi32, #tpu.memory_space<vmem>>
        %dma_start3A_453 = arith.constant 0 : i32
        %dma_start3A_454 = arith.constant 0 : i32
        %dma_start3A_455 = tpu.memref_slice %arg7[%dma_start3A_453, %dma_start3A_454] : memref<3120x128xf32, #tpu.memory_space<vmem_shared>> -> memref<3120x128xf32, #tpu.memory_space<vmem_shared>>
        %dma_start3A_456 = tpu.memref_slice %arg9[%dma_start3A_445] : memref<4x!tpu.dma_semaphore, #tpu.memory_space<semaphore_mem>> -> memref<1x!tpu.dma_semaphore, #tpu.memory_space<semaphore_mem>>
        %dma_start3A_457 = tpu.memref_squeeze %dma_start3A_456 : memref<1x!tpu.dma_semaphore, #tpu.memory_space<semaphore_mem>> -> memref<!tpu.dma_semaphore, #tpu.memory_space<semaphore_mem>>
        tpu.enqueue_indirect_dma source(%dma_start3A_455 : memref<3120x128xf32, #tpu.memory_space<vmem_shared>>) target(%dma_start3A_449 : memref<128x128xf32, #tpu.memory_space<vmem>>) offsets(%dma_start3A_452 : memref<128xi32, #tpu.memory_space<vmem>>) semaphore(%dma_start3A_457 : memref<!tpu.dma_semaphore, #tpu.memory_space<semaphore_mem>>)
      } else {
      }
      %add3A_298 = arith.constant 4 : i32
      %add3A_299 = arith.addi %add3A_248, %add3A_298 : i32
      %lt3A_300 = arith.constant 200 : i32
      %lt3A_301 = arith.cmpi slt, %add3A_299, %lt3A_300 : i32
      %convert_element_type3A_302 = arith.extui %lt3A_301 : i1 to i32
      %cond3A_303 = arith.constant 0 : i32
      %cond3A_304 = arith.cmpi ne, %convert_element_type3A_302, %cond3A_303 : i32
      scf.if %cond3A_304 {
        %add3A_426 = arith.constant 4 : i32
        %add3A_427 = arith.addi %add3A_248, %add3A_426 : i32
        %add3A_428 = arith.addi %mul3A_2, %add3A_427 : i32
        %dma_start3A_429 = arith.constant 1 : i32
        %dma_start3A_430 = arith.constant 1 : i32
        %dma_start3A_431 = arith.constant 0 : i32
        %dma_start3A_432 = arith.constant 0 : i32
        %dma_start3A_433 = tpu.memref_slice %arg5[%dma_start3A_429, %dma_start3A_431, %dma_start3A_432] : memref<4x1x128xi32, #tpu.memory_space<vmem>> -> memref<1x1x128xi32, #tpu.memory_space<vmem>>
        %dma_start3A_434 = tpu.memref_squeeze %dma_start3A_433 : memref<1x1x128xi32, #tpu.memory_space<vmem>> -> memref<1x128xi32, #tpu.memory_space<vmem>>
        %dma_start3A_435 = arith.constant 0 : i32
        %dma_start3A_436 = tpu.memref_slice %arg3[%add3A_428, %dma_start3A_435] : memref<6400x128xi32, #tpu.memory_space<hbm>> -> memref<1x128xi32, #tpu.memory_space<hbm>>
        %dma_start3A_437 = tpu.memref_slice %arg8[%dma_start3A_430] : memref<4x!tpu.dma_semaphore, #tpu.memory_space<semaphore_mem>> -> memref<1x!tpu.dma_semaphore, #tpu.memory_space<semaphore_mem>>
        %dma_start3A_438 = tpu.memref_squeeze %dma_start3A_437 : memref<1x!tpu.dma_semaphore, #tpu.memory_space<semaphore_mem>> -> memref<!tpu.dma_semaphore, #tpu.memory_space<semaphore_mem>>
        %dma_start3A_439 = arith.constant 0 : i32
        %dma_start3A_440 = arith.constant 0 : i32
        %dma_start3A_441 = tpu.memref_slice %arg5[%dma_start3A_429, %dma_start3A_439, %dma_start3A_440] : memref<4x1x128xi32, #tpu.memory_space<vmem>> -> memref<1x1x128xi32, #tpu.memory_space<vmem>>
        %dma_start3A_442 = tpu.memref_squeeze %dma_start3A_441 : memref<1x1x128xi32, #tpu.memory_space<vmem>> -> memref<1x128xi32, #tpu.memory_space<vmem>>
        %dma_start3A_443 = arith.constant 0 : i32
        %dma_start3A_444 = tpu.memref_slice %arg3[%add3A_428, %dma_start3A_443] : memref<6400x128xi32, #tpu.memory_space<hbm>> -> memref<1x128xi32, #tpu.memory_space<hbm>>
        tpu.enqueue_dma source(%dma_start3A_444 : memref<1x128xi32, #tpu.memory_space<hbm>>) target(%dma_start3A_442 : memref<1x128xi32, #tpu.memory_space<vmem>>) target_semaphore(%dma_start3A_438 : memref<!tpu.dma_semaphore, #tpu.memory_space<semaphore_mem>>)
      } else {
      }
      %mul3A_305 = arith.constant 4 : i32
      %mul3A_306 = arith.muli %scan3A_185, %mul3A_305 : i32
      %add3A_307 = arith.constant 2 : i32
      %add3A_308 = arith.addi %mul3A_306, %add3A_307 : i32
      %dma_wait3A_309 = arith.constant 2 : i32
      %dma_wait3A_310 = arith.constant 0 : i32
      %dma_wait3A_311 = arith.constant 2 : i32
      %dma_wait3A_312 = arith.constant 2 : i32
      %dma_wait3A_313 = arith.constant 0 : i32
      %dma_wait3A_314 = arith.constant 0 : i32
      %dma_wait3A_315 = tpu.memref_slice %arg6[%dma_wait3A_311, %dma_wait3A_313, %dma_wait3A_314] : memref<4x128x128xf32, #tpu.memory_space<vmem>> -> memref<1x128x128xf32, #tpu.memory_space<vmem>>
      %dma_wait3A_316 = tpu.memref_squeeze %dma_wait3A_315 : memref<1x128x128xf32, #tpu.memory_space<vmem>> -> memref<128x128xf32, #tpu.memory_space<vmem>>
      %dma_wait3A_317 = arith.constant 0 : i32
      %dma_wait3A_318 = tpu.memref_slice %arg5[%dma_wait3A_309, %dma_wait3A_310, %dma_wait3A_317] : memref<4x1x128xi32, #tpu.memory_space<vmem>> -> memref<1x1x128xi32, #tpu.memory_space<vmem>>
      %dma_wait3A_319 = tpu.memref_squeeze %dma_wait3A_318 : memref<1x1x128xi32, #tpu.memory_space<vmem>> -> memref<128xi32, #tpu.memory_space<vmem>>
      %dma_wait3A_320 = arith.constant 0 : i32
      %dma_wait3A_321 = arith.constant 0 : i32
      %dma_wait3A_322 = tpu.memref_slice %arg7[%dma_wait3A_320, %dma_wait3A_321] : memref<3120x128xf32, #tpu.memory_space<vmem_shared>> -> memref<3120x128xf32, #tpu.memory_space<vmem_shared>>
      %dma_wait3A_323 = tpu.memref_slice %arg9[%dma_wait3A_312] : memref<4x!tpu.dma_semaphore, #tpu.memory_space<semaphore_mem>> -> memref<1x!tpu.dma_semaphore, #tpu.memory_space<semaphore_mem>>
      %dma_wait3A_324 = tpu.memref_squeeze %dma_wait3A_323 : memref<1x!tpu.dma_semaphore, #tpu.memory_space<semaphore_mem>> -> memref<!tpu.dma_semaphore, #tpu.memory_space<semaphore_mem>>
      tpu.wait_indirect_dma semaphore(%dma_wait3A_324 : memref<!tpu.dma_semaphore, #tpu.memory_space<semaphore_mem>>) src(%dma_wait3A_322 : memref<3120x128xf32, #tpu.memory_space<vmem_shared>>) dst(%dma_wait3A_316 : memref<128x128xf32, #tpu.memory_space<vmem>>)
      %mul3A_325 = arith.constant 128 : i32
      %mul3A_326 = arith.muli %mul3A_2, %mul3A_325 : i32
      %mul3A_327 = arith.constant 128 : i32
      %mul3A_328 = arith.muli %add3A_308, %mul3A_327 : i32
      %add3A_329 = arith.addi %mul3A_326, %mul3A_328 : i32
      %dma_start3A_330 = arith.constant 2 : i32
      %dma_start3A_331 = arith.constant 2 : i32
      %dma_start3A_332 = arith.constant 0 : i32
      %dma_start3A_333 = arith.constant 0 : i32
      %dma_start3A_334 = tpu.memref_slice %arg6[%dma_start3A_330, %dma_start3A_332, %dma_start3A_333] : memref<4x128x128xf32, #tpu.memory_space<vmem>> -> memref<1x128x128xf32, #tpu.memory_space<vmem>>
      %dma_start3A_335 = tpu.memref_squeeze %dma_start3A_334 : memref<1x128x128xf32, #tpu.memory_space<vmem>> -> memref<128x128xf32, #tpu.memory_space<vmem>>
      %dma_start3A_336 = arith.constant 0 : i32
      %dma_start3A_337 = tpu.memref_slice %arg4[%add3A_329, %dma_start3A_336] : memref<819200x128xf32, #tpu.memory_space<hbm>> -> memref<128x128xf32, #tpu.memory_space<hbm>>
      %dma_start3A_338 = tpu.memref_slice %arg10[%dma_start3A_331] : memref<4x!tpu.dma_semaphore, #tpu.memory_space<semaphore_mem>> -> memref<1x!tpu.dma_semaphore, #tpu.memory_space<semaphore_mem>>
      %dma_start3A_339 = tpu.memref_squeeze %dma_start3A_338 : memref<1x!tpu.dma_semaphore, #tpu.memory_space<semaphore_mem>> -> memref<!tpu.dma_semaphore, #tpu.memory_space<semaphore_mem>>
      %dma_start3A_340 = arith.constant 0 : i32
      %dma_start3A_341 = tpu.memref_slice %arg4[%add3A_329, %dma_start3A_340] : memref<819200x128xf32, #tpu.memory_space<hbm>> -> memref<128x128xf32, #tpu.memory_space<hbm>>
      %dma_start3A_342 = arith.constant 0 : i32
      %dma_start3A_343 = arith.constant 0 : i32
      %dma_start3A_344 = tpu.memref_slice %arg6[%dma_start3A_330, %dma_start3A_342, %dma_start3A_343] : memref<4x128x128xf32, #tpu.memory_space<vmem>> -> memref<1x128x128xf32, #tpu.memory_space<vmem>>
      %dma_start3A_345 = tpu.memref_squeeze %dma_start3A_344 : memref<1x128x128xf32, #tpu.memory_space<vmem>> -> memref<128x128xf32, #tpu.memory_space<vmem>>
      tpu.enqueue_dma source(%dma_start3A_345 : memref<128x128xf32, #tpu.memory_space<vmem>>) target(%dma_start3A_341 : memref<128x128xf32, #tpu.memory_space<hbm>>) target_semaphore(%dma_start3A_339 : memref<!tpu.dma_semaphore, #tpu.memory_space<semaphore_mem>>)
      %ge3A_346 = arith.constant 2 : i32
      %ge3A_347 = arith.cmpi sge, %add3A_308, %ge3A_346 : i32
      %convert_element_type3A_348 = arith.extui %ge3A_347 : i1 to i32
      %cond3A_349 = arith.constant 0 : i32
      %cond3A_350 = arith.cmpi ne, %convert_element_type3A_348, %cond3A_349 : i32
      scf.if %cond3A_350 {
        %mul3A_426 = arith.constant 128 : i32
        %mul3A_427 = arith.muli %mul3A_2, %mul3A_426 : i32
        %dma_wait3A_428 = arith.constant 0 : i32
        %dma_wait3A_429 = arith.constant 0 : i32
        %dma_wait3A_430 = arith.constant 0 : i32
        %dma_wait3A_431 = arith.constant 0 : i32
        %dma_wait3A_432 = tpu.memref_slice %arg6[%dma_wait3A_428, %dma_wait3A_430, %dma_wait3A_431] : memref<4x128x128xf32, #tpu.memory_space<vmem>> -> memref<1x128x128xf32, #tpu.memory_space<vmem>>
        %dma_wait3A_433 = tpu.memref_squeeze %dma_wait3A_432 : memref<1x128x128xf32, #tpu.memory_space<vmem>> -> memref<128x128xf32, #tpu.memory_space<vmem>>
        %dma_wait3A_434 = arith.constant 0 : i32
        %dma_wait3A_435 = tpu.memref_slice %arg4[%mul3A_427, %dma_wait3A_434] : memref<819200x128xf32, #tpu.memory_space<hbm>> -> memref<128x128xf32, #tpu.memory_space<hbm>>
        %dma_wait3A_436 = tpu.memref_slice %arg10[%dma_wait3A_429] : memref<4x!tpu.dma_semaphore, #tpu.memory_space<semaphore_mem>> -> memref<1x!tpu.dma_semaphore, #tpu.memory_space<semaphore_mem>>
        %dma_wait3A_437 = tpu.memref_squeeze %dma_wait3A_436 : memref<1x!tpu.dma_semaphore, #tpu.memory_space<semaphore_mem>> -> memref<!tpu.dma_semaphore, #tpu.memory_space<semaphore_mem>>
        %dma_wait3A_438 = arith.constant 0 : i32
        %dma_wait3A_439 = tpu.memref_slice %arg4[%mul3A_427, %dma_wait3A_438] : memref<819200x128xf32, #tpu.memory_space<hbm>> -> memref<128x128xf32, #tpu.memory_space<hbm>>
        %dma_wait3A_440 = arith.constant 0 : i32
        %dma_wait3A_441 = arith.constant 0 : i32
        %dma_wait3A_442 = tpu.memref_slice %arg6[%dma_wait3A_428, %dma_wait3A_440, %dma_wait3A_441] : memref<4x128x128xf32, #tpu.memory_space<vmem>> -> memref<1x128x128xf32, #tpu.memory_space<vmem>>
        %dma_wait3A_443 = tpu.memref_squeeze %dma_wait3A_442 : memref<1x128x128xf32, #tpu.memory_space<vmem>> -> memref<128x128xf32, #tpu.memory_space<vmem>>
        tpu.wait_dma2 semaphore(%dma_wait3A_437 : memref<!tpu.dma_semaphore, #tpu.memory_space<semaphore_mem>>) src(%dma_wait3A_443 : memref<128x128xf32, #tpu.memory_space<vmem>>) dst(%dma_wait3A_439 : memref<128x128xf32, #tpu.memory_space<hbm>>)
      } else {
      }
      %add3A_351 = arith.constant 2 : i32
      %add3A_352 = arith.addi %add3A_308, %add3A_351 : i32
      %lt3A_353 = arith.constant 200 : i32
      %lt3A_354 = arith.cmpi slt, %add3A_352, %lt3A_353 : i32
      %convert_element_type3A_355 = arith.extui %lt3A_354 : i1 to i32
      %cond3A_356 = arith.constant 0 : i32
      %cond3A_357 = arith.cmpi ne, %convert_element_type3A_355, %cond3A_356 : i32
      scf.if %cond3A_357 {
        %dma_wait3A_426 = arith.constant 0 : i32
        %dma_wait3A_427 = arith.constant 0 : i32
        %dma_wait3A_428 = arith.constant 0 : i32
        %dma_wait3A_429 = arith.constant 0 : i32
        %dma_wait3A_430 = tpu.memref_slice %arg5[%dma_wait3A_426, %dma_wait3A_428, %dma_wait3A_429] : memref<4x1x128xi32, #tpu.memory_space<vmem>> -> memref<1x1x128xi32, #tpu.memory_space<vmem>>
        %dma_wait3A_431 = tpu.memref_squeeze %dma_wait3A_430 : memref<1x1x128xi32, #tpu.memory_space<vmem>> -> memref<1x128xi32, #tpu.memory_space<vmem>>
        %dma_wait3A_432 = arith.constant 0 : i32
        %dma_wait3A_433 = tpu.memref_slice %arg3[%mul3A_2, %dma_wait3A_432] : memref<6400x128xi32, #tpu.memory_space<hbm>> -> memref<1x128xi32, #tpu.memory_space<hbm>>
        %dma_wait3A_434 = tpu.memref_slice %arg8[%dma_wait3A_427] : memref<4x!tpu.dma_semaphore, #tpu.memory_space<semaphore_mem>> -> memref<1x!tpu.dma_semaphore, #tpu.memory_space<semaphore_mem>>
        %dma_wait3A_435 = tpu.memref_squeeze %dma_wait3A_434 : memref<1x!tpu.dma_semaphore, #tpu.memory_space<semaphore_mem>> -> memref<!tpu.dma_semaphore, #tpu.memory_space<semaphore_mem>>
        %dma_wait3A_436 = arith.constant 0 : i32
        %dma_wait3A_437 = arith.constant 0 : i32
        %dma_wait3A_438 = tpu.memref_slice %arg5[%dma_wait3A_426, %dma_wait3A_436, %dma_wait3A_437] : memref<4x1x128xi32, #tpu.memory_space<vmem>> -> memref<1x1x128xi32, #tpu.memory_space<vmem>>
        %dma_wait3A_439 = tpu.memref_squeeze %dma_wait3A_438 : memref<1x1x128xi32, #tpu.memory_space<vmem>> -> memref<1x128xi32, #tpu.memory_space<vmem>>
        %dma_wait3A_440 = arith.constant 0 : i32
        %dma_wait3A_441 = tpu.memref_slice %arg3[%mul3A_2, %dma_wait3A_440] : memref<6400x128xi32, #tpu.memory_space<hbm>> -> memref<1x128xi32, #tpu.memory_space<hbm>>
        tpu.wait_dma2 semaphore(%dma_wait3A_435 : memref<!tpu.dma_semaphore, #tpu.memory_space<semaphore_mem>>) src(%dma_wait3A_441 : memref<1x128xi32, #tpu.memory_space<hbm>>) dst(%dma_wait3A_439 : memref<1x128xi32, #tpu.memory_space<vmem>>)
        %dma_start3A_442 = arith.constant 0 : i32
        %dma_start3A_443 = arith.constant 0 : i32
        %dma_start3A_444 = arith.constant 0 : i32
        %dma_start3A_445 = arith.constant 0 : i32
        %dma_start3A_446 = arith.constant 0 : i32
        %dma_start3A_447 = arith.constant 0 : i32
        %dma_start3A_448 = tpu.memref_slice %arg6[%dma_start3A_444, %dma_start3A_446, %dma_start3A_447] : memref<4x128x128xf32, #tpu.memory_space<vmem>> -> memref<1x128x128xf32, #tpu.memory_space<vmem>>
        %dma_start3A_449 = tpu.memref_squeeze %dma_start3A_448 : memref<1x128x128xf32, #tpu.memory_space<vmem>> -> memref<128x128xf32, #tpu.memory_space<vmem>>
        %dma_start3A_450 = arith.constant 0 : i32
        %dma_start3A_451 = tpu.memref_slice %arg5[%dma_start3A_442, %dma_start3A_443, %dma_start3A_450] : memref<4x1x128xi32, #tpu.memory_space<vmem>> -> memref<1x1x128xi32, #tpu.memory_space<vmem>>
        %dma_start3A_452 = tpu.memref_squeeze %dma_start3A_451 : memref<1x1x128xi32, #tpu.memory_space<vmem>> -> memref<128xi32, #tpu.memory_space<vmem>>
        %dma_start3A_453 = arith.constant 0 : i32
        %dma_start3A_454 = arith.constant 0 : i32
        %dma_start3A_455 = tpu.memref_slice %arg7[%dma_start3A_453, %dma_start3A_454] : memref<3120x128xf32, #tpu.memory_space<vmem_shared>> -> memref<3120x128xf32, #tpu.memory_space<vmem_shared>>
        %dma_start3A_456 = tpu.memref_slice %arg9[%dma_start3A_445] : memref<4x!tpu.dma_semaphore, #tpu.memory_space<semaphore_mem>> -> memref<1x!tpu.dma_semaphore, #tpu.memory_space<semaphore_mem>>
        %dma_start3A_457 = tpu.memref_squeeze %dma_start3A_456 : memref<1x!tpu.dma_semaphore, #tpu.memory_space<semaphore_mem>> -> memref<!tpu.dma_semaphore, #tpu.memory_space<semaphore_mem>>
        tpu.enqueue_indirect_dma source(%dma_start3A_455 : memref<3120x128xf32, #tpu.memory_space<vmem_shared>>) target(%dma_start3A_449 : memref<128x128xf32, #tpu.memory_space<vmem>>) offsets(%dma_start3A_452 : memref<128xi32, #tpu.memory_space<vmem>>) semaphore(%dma_start3A_457 : memref<!tpu.dma_semaphore, #tpu.memory_space<semaphore_mem>>)
      } else {
      }
      %add3A_358 = arith.constant 4 : i32
      %add3A_359 = arith.addi %add3A_308, %add3A_358 : i32
      %lt3A_360 = arith.constant 200 : i32
      %lt3A_361 = arith.cmpi slt, %add3A_359, %lt3A_360 : i32
      %convert_element_type3A_362 = arith.extui %lt3A_361 : i1 to i32
      %cond3A_363 = arith.constant 0 : i32
      %cond3A_364 = arith.cmpi ne, %convert_element_type3A_362, %cond3A_363 : i32
      scf.if %cond3A_364 {
        %add3A_426 = arith.constant 4 : i32
        %add3A_427 = arith.addi %add3A_308, %add3A_426 : i32
        %add3A_428 = arith.addi %mul3A_2, %add3A_427 : i32
        %dma_start3A_429 = arith.constant 2 : i32
        %dma_start3A_430 = arith.constant 2 : i32
        %dma_start3A_431 = arith.constant 0 : i32
        %dma_start3A_432 = arith.constant 0 : i32
        %dma_start3A_433 = tpu.memref_slice %arg5[%dma_start3A_429, %dma_start3A_431, %dma_start3A_432] : memref<4x1x128xi32, #tpu.memory_space<vmem>> -> memref<1x1x128xi32, #tpu.memory_space<vmem>>
        %dma_start3A_434 = tpu.memref_squeeze %dma_start3A_433 : memref<1x1x128xi32, #tpu.memory_space<vmem>> -> memref<1x128xi32, #tpu.memory_space<vmem>>
        %dma_start3A_435 = arith.constant 0 : i32
        %dma_start3A_436 = tpu.memref_slice %arg3[%add3A_428, %dma_start3A_435] : memref<6400x128xi32, #tpu.memory_space<hbm>> -> memref<1x128xi32, #tpu.memory_space<hbm>>
        %dma_start3A_437 = tpu.memref_slice %arg8[%dma_start3A_430] : memref<4x!tpu.dma_semaphore, #tpu.memory_space<semaphore_mem>> -> memref<1x!tpu.dma_semaphore, #tpu.memory_space<semaphore_mem>>
        %dma_start3A_438 = tpu.memref_squeeze %dma_start3A_437 : memref<1x!tpu.dma_semaphore, #tpu.memory_space<semaphore_mem>> -> memref<!tpu.dma_semaphore, #tpu.memory_space<semaphore_mem>>
        %dma_start3A_439 = arith.constant 0 : i32
        %dma_start3A_440 = arith.constant 0 : i32
        %dma_start3A_441 = tpu.memref_slice %arg5[%dma_start3A_429, %dma_start3A_439, %dma_start3A_440] : memref<4x1x128xi32, #tpu.memory_space<vmem>> -> memref<1x1x128xi32, #tpu.memory_space<vmem>>
        %dma_start3A_442 = tpu.memref_squeeze %dma_start3A_441 : memref<1x1x128xi32, #tpu.memory_space<vmem>> -> memref<1x128xi32, #tpu.memory_space<vmem>>
        %dma_start3A_443 = arith.constant 0 : i32
        %dma_start3A_444 = tpu.memref_slice %arg3[%add3A_428, %dma_start3A_443] : memref<6400x128xi32, #tpu.memory_space<hbm>> -> memref<1x128xi32, #tpu.memory_space<hbm>>
        tpu.enqueue_dma source(%dma_start3A_444 : memref<1x128xi32, #tpu.memory_space<hbm>>) target(%dma_start3A_442 : memref<1x128xi32, #tpu.memory_space<vmem>>) target_semaphore(%dma_start3A_438 : memref<!tpu.dma_semaphore, #tpu.memory_space<semaphore_mem>>)
      } else {
      }
      %mul3A_365 = arith.constant 4 : i32
      %mul3A_366 = arith.muli %scan3A_185, %mul3A_365 : i32
      %add3A_367 = arith.constant 3 : i32
      %add3A_368 = arith.addi %mul3A_366, %add3A_367 : i32
      %dma_wait3A_369 = arith.constant 3 : i32
      %dma_wait3A_370 = arith.constant 0 : i32
      %dma_wait3A_371 = arith.constant 3 : i32
      %dma_wait3A_372 = arith.constant 3 : i32
      %dma_wait3A_373 = arith.constant 0 : i32
      %dma_wait3A_374 = arith.constant 0 : i32
      %dma_wait3A_375 = tpu.memref_slice %arg6[%dma_wait3A_371, %dma_wait3A_373, %dma_wait3A_374] : memref<4x128x128xf32, #tpu.memory_space<vmem>> -> memref<1x128x128xf32, #tpu.memory_space<vmem>>
      %dma_wait3A_376 = tpu.memref_squeeze %dma_wait3A_375 : memref<1x128x128xf32, #tpu.memory_space<vmem>> -> memref<128x128xf32, #tpu.memory_space<vmem>>
      %dma_wait3A_377 = arith.constant 0 : i32
      %dma_wait3A_378 = tpu.memref_slice %arg5[%dma_wait3A_369, %dma_wait3A_370, %dma_wait3A_377] : memref<4x1x128xi32, #tpu.memory_space<vmem>> -> memref<1x1x128xi32, #tpu.memory_space<vmem>>
      %dma_wait3A_379 = tpu.memref_squeeze %dma_wait3A_378 : memref<1x1x128xi32, #tpu.memory_space<vmem>> -> memref<128xi32, #tpu.memory_space<vmem>>
      %dma_wait3A_380 = arith.constant 0 : i32
      %dma_wait3A_381 = arith.constant 0 : i32
      %dma_wait3A_382 = tpu.memref_slice %arg7[%dma_wait3A_380, %dma_wait3A_381] : memref<3120x128xf32, #tpu.memory_space<vmem_shared>> -> memref<3120x128xf32, #tpu.memory_space<vmem_shared>>
      %dma_wait3A_383 = tpu.memref_slice %arg9[%dma_wait3A_372] : memref<4x!tpu.dma_semaphore, #tpu.memory_space<semaphore_mem>> -> memref<1x!tpu.dma_semaphore, #tpu.memory_space<semaphore_mem>>
      %dma_wait3A_384 = tpu.memref_squeeze %dma_wait3A_383 : memref<1x!tpu.dma_semaphore, #tpu.memory_space<semaphore_mem>> -> memref<!tpu.dma_semaphore, #tpu.memory_space<semaphore_mem>>
      tpu.wait_indirect_dma semaphore(%dma_wait3A_384 : memref<!tpu.dma_semaphore, #tpu.memory_space<semaphore_mem>>) src(%dma_wait3A_382 : memref<3120x128xf32, #tpu.memory_space<vmem_shared>>) dst(%dma_wait3A_376 : memref<128x128xf32, #tpu.memory_space<vmem>>)
      %mul3A_385 = arith.constant 128 : i32
      %mul3A_386 = arith.muli %mul3A_2, %mul3A_385 : i32
      %mul3A_387 = arith.constant 128 : i32
      %mul3A_388 = arith.muli %add3A_368, %mul3A_387 : i32
      %add3A_389 = arith.addi %mul3A_386, %mul3A_388 : i32
      %dma_start3A_390 = arith.constant 3 : i32
      %dma_start3A_391 = arith.constant 3 : i32
      %dma_start3A_392 = arith.constant 0 : i32
      %dma_start3A_393 = arith.constant 0 : i32
      %dma_start3A_394 = tpu.memref_slice %arg6[%dma_start3A_390, %dma_start3A_392, %dma_start3A_393] : memref<4x128x128xf32, #tpu.memory_space<vmem>> -> memref<1x128x128xf32, #tpu.memory_space<vmem>>
      %dma_start3A_395 = tpu.memref_squeeze %dma_start3A_394 : memref<1x128x128xf32, #tpu.memory_space<vmem>> -> memref<128x128xf32, #tpu.memory_space<vmem>>
      %dma_start3A_396 = arith.constant 0 : i32
      %dma_start3A_397 = tpu.memref_slice %arg4[%add3A_389, %dma_start3A_396] : memref<819200x128xf32, #tpu.memory_space<hbm>> -> memref<128x128xf32, #tpu.memory_space<hbm>>
      %dma_start3A_398 = tpu.memref_slice %arg10[%dma_start3A_391] : memref<4x!tpu.dma_semaphore, #tpu.memory_space<semaphore_mem>> -> memref<1x!tpu.dma_semaphore, #tpu.memory_space<semaphore_mem>>
      %dma_start3A_399 = tpu.memref_squeeze %dma_start3A_398 : memref<1x!tpu.dma_semaphore, #tpu.memory_space<semaphore_mem>> -> memref<!tpu.dma_semaphore, #tpu.memory_space<semaphore_mem>>
      %dma_start3A_400 = arith.constant 0 : i32
      %dma_start3A_401 = tpu.memref_slice %arg4[%add3A_389, %dma_start3A_400] : memref<819200x128xf32, #tpu.memory_space<hbm>> -> memref<128x128xf32, #tpu.memory_space<hbm>>
      %dma_start3A_402 = arith.constant 0 : i32
      %dma_start3A_403 = arith.constant 0 : i32
      %dma_start3A_404 = tpu.memref_slice %arg6[%dma_start3A_390, %dma_start3A_402, %dma_start3A_403] : memref<4x128x128xf32, #tpu.memory_space<vmem>> -> memref<1x128x128xf32, #tpu.memory_space<vmem>>
      %dma_start3A_405 = tpu.memref_squeeze %dma_start3A_404 : memref<1x128x128xf32, #tpu.memory_space<vmem>> -> memref<128x128xf32, #tpu.memory_space<vmem>>
      tpu.enqueue_dma source(%dma_start3A_405 : memref<128x128xf32, #tpu.memory_space<vmem>>) target(%dma_start3A_401 : memref<128x128xf32, #tpu.memory_space<hbm>>) target_semaphore(%dma_start3A_399 : memref<!tpu.dma_semaphore, #tpu.memory_space<semaphore_mem>>)
      %ge3A_406 = arith.constant 2 : i32
      %ge3A_407 = arith.cmpi sge, %add3A_368, %ge3A_406 : i32
      %convert_element_type3A_408 = arith.extui %ge3A_407 : i1 to i32
      %cond3A_409 = arith.constant 0 : i32
      %cond3A_410 = arith.cmpi ne, %convert_element_type3A_408, %cond3A_409 : i32
      scf.if %cond3A_410 {
        %mul3A_426 = arith.constant 128 : i32
        %mul3A_427 = arith.muli %mul3A_2, %mul3A_426 : i32
        %dma_wait3A_428 = arith.constant 1 : i32
        %dma_wait3A_429 = arith.constant 1 : i32
        %dma_wait3A_430 = arith.constant 0 : i32
        %dma_wait3A_431 = arith.constant 0 : i32
        %dma_wait3A_432 = tpu.memref_slice %arg6[%dma_wait3A_428, %dma_wait3A_430, %dma_wait3A_431] : memref<4x128x128xf32, #tpu.memory_space<vmem>> -> memref<1x128x128xf32, #tpu.memory_space<vmem>>
        %dma_wait3A_433 = tpu.memref_squeeze %dma_wait3A_432 : memref<1x128x128xf32, #tpu.memory_space<vmem>> -> memref<128x128xf32, #tpu.memory_space<vmem>>
        %dma_wait3A_434 = arith.constant 0 : i32
        %dma_wait3A_435 = tpu.memref_slice %arg4[%mul3A_427, %dma_wait3A_434] : memref<819200x128xf32, #tpu.memory_space<hbm>> -> memref<128x128xf32, #tpu.memory_space<hbm>>
        %dma_wait3A_436 = tpu.memref_slice %arg10[%dma_wait3A_429] : memref<4x!tpu.dma_semaphore, #tpu.memory_space<semaphore_mem>> -> memref<1x!tpu.dma_semaphore, #tpu.memory_space<semaphore_mem>>
        %dma_wait3A_437 = tpu.memref_squeeze %dma_wait3A_436 : memref<1x!tpu.dma_semaphore, #tpu.memory_space<semaphore_mem>> -> memref<!tpu.dma_semaphore, #tpu.memory_space<semaphore_mem>>
        %dma_wait3A_438 = arith.constant 0 : i32
        %dma_wait3A_439 = tpu.memref_slice %arg4[%mul3A_427, %dma_wait3A_438] : memref<819200x128xf32, #tpu.memory_space<hbm>> -> memref<128x128xf32, #tpu.memory_space<hbm>>
        %dma_wait3A_440 = arith.constant 0 : i32
        %dma_wait3A_441 = arith.constant 0 : i32
        %dma_wait3A_442 = tpu.memref_slice %arg6[%dma_wait3A_428, %dma_wait3A_440, %dma_wait3A_441] : memref<4x128x128xf32, #tpu.memory_space<vmem>> -> memref<1x128x128xf32, #tpu.memory_space<vmem>>
        %dma_wait3A_443 = tpu.memref_squeeze %dma_wait3A_442 : memref<1x128x128xf32, #tpu.memory_space<vmem>> -> memref<128x128xf32, #tpu.memory_space<vmem>>
        tpu.wait_dma2 semaphore(%dma_wait3A_437 : memref<!tpu.dma_semaphore, #tpu.memory_space<semaphore_mem>>) src(%dma_wait3A_443 : memref<128x128xf32, #tpu.memory_space<vmem>>) dst(%dma_wait3A_439 : memref<128x128xf32, #tpu.memory_space<hbm>>)
      } else {
      }
      %add3A_411 = arith.constant 2 : i32
      %add3A_412 = arith.addi %add3A_368, %add3A_411 : i32
      %lt3A_413 = arith.constant 200 : i32
      %lt3A_414 = arith.cmpi slt, %add3A_412, %lt3A_413 : i32
      %convert_element_type3A_415 = arith.extui %lt3A_414 : i1 to i32
      %cond3A_416 = arith.constant 0 : i32
      %cond3A_417 = arith.cmpi ne, %convert_element_type3A_415, %cond3A_416 : i32
      scf.if %cond3A_417 {
        %dma_wait3A_426 = arith.constant 1 : i32
        %dma_wait3A_427 = arith.constant 1 : i32
        %dma_wait3A_428 = arith.constant 0 : i32
        %dma_wait3A_429 = arith.constant 0 : i32
        %dma_wait3A_430 = tpu.memref_slice %arg5[%dma_wait3A_426, %dma_wait3A_428, %dma_wait3A_429] : memref<4x1x128xi32, #tpu.memory_space<vmem>> -> memref<1x1x128xi32, #tpu.memory_space<vmem>>
        %dma_wait3A_431 = tpu.memref_squeeze %dma_wait3A_430 : memref<1x1x128xi32, #tpu.memory_space<vmem>> -> memref<1x128xi32, #tpu.memory_space<vmem>>
        %dma_wait3A_432 = arith.constant 0 : i32
        %dma_wait3A_433 = tpu.memref_slice %arg3[%mul3A_2, %dma_wait3A_432] : memref<6400x128xi32, #tpu.memory_space<hbm>> -> memref<1x128xi32, #tpu.memory_space<hbm>>
        %dma_wait3A_434 = tpu.memref_slice %arg8[%dma_wait3A_427] : memref<4x!tpu.dma_semaphore, #tpu.memory_space<semaphore_mem>> -> memref<1x!tpu.dma_semaphore, #tpu.memory_space<semaphore_mem>>
        %dma_wait3A_435 = tpu.memref_squeeze %dma_wait3A_434 : memref<1x!tpu.dma_semaphore, #tpu.memory_space<semaphore_mem>> -> memref<!tpu.dma_semaphore, #tpu.memory_space<semaphore_mem>>
        %dma_wait3A_436 = arith.constant 0 : i32
        %dma_wait3A_437 = arith.constant 0 : i32
        %dma_wait3A_438 = tpu.memref_slice %arg5[%dma_wait3A_426, %dma_wait3A_436, %dma_wait3A_437] : memref<4x1x128xi32, #tpu.memory_space<vmem>> -> memref<1x1x128xi32, #tpu.memory_space<vmem>>
        %dma_wait3A_439 = tpu.memref_squeeze %dma_wait3A_438 : memref<1x1x128xi32, #tpu.memory_space<vmem>> -> memref<1x128xi32, #tpu.memory_space<vmem>>
        %dma_wait3A_440 = arith.constant 0 : i32
        %dma_wait3A_441 = tpu.memref_slice %arg3[%mul3A_2, %dma_wait3A_440] : memref<6400x128xi32, #tpu.memory_space<hbm>> -> memref<1x128xi32, #tpu.memory_space<hbm>>
        tpu.wait_dma2 semaphore(%dma_wait3A_435 : memref<!tpu.dma_semaphore, #tpu.memory_space<semaphore_mem>>) src(%dma_wait3A_441 : memref<1x128xi32, #tpu.memory_space<hbm>>) dst(%dma_wait3A_439 : memref<1x128xi32, #tpu.memory_space<vmem>>)
        %dma_start3A_442 = arith.constant 1 : i32
        %dma_start3A_443 = arith.constant 0 : i32
        %dma_start3A_444 = arith.constant 1 : i32
        %dma_start3A_445 = arith.constant 1 : i32
        %dma_start3A_446 = arith.constant 0 : i32
        %dma_start3A_447 = arith.constant 0 : i32
        %dma_start3A_448 = tpu.memref_slice %arg6[%dma_start3A_444, %dma_start3A_446, %dma_start3A_447] : memref<4x128x128xf32, #tpu.memory_space<vmem>> -> memref<1x128x128xf32, #tpu.memory_space<vmem>>
        %dma_start3A_449 = tpu.memref_squeeze %dma_start3A_448 : memref<1x128x128xf32, #tpu.memory_space<vmem>> -> memref<128x128xf32, #tpu.memory_space<vmem>>
        %dma_start3A_450 = arith.constant 0 : i32
        %dma_start3A_451 = tpu.memref_slice %arg5[%dma_start3A_442, %dma_start3A_443, %dma_start3A_450] : memref<4x1x128xi32, #tpu.memory_space<vmem>> -> memref<1x1x128xi32, #tpu.memory_space<vmem>>
        %dma_start3A_452 = tpu.memref_squeeze %dma_start3A_451 : memref<1x1x128xi32, #tpu.memory_space<vmem>> -> memref<128xi32, #tpu.memory_space<vmem>>
        %dma_start3A_453 = arith.constant 0 : i32
        %dma_start3A_454 = arith.constant 0 : i32
        %dma_start3A_455 = tpu.memref_slice %arg7[%dma_start3A_453, %dma_start3A_454] : memref<3120x128xf32, #tpu.memory_space<vmem_shared>> -> memref<3120x128xf32, #tpu.memory_space<vmem_shared>>
        %dma_start3A_456 = tpu.memref_slice %arg9[%dma_start3A_445] : memref<4x!tpu.dma_semaphore, #tpu.memory_space<semaphore_mem>> -> memref<1x!tpu.dma_semaphore, #tpu.memory_space<semaphore_mem>>
        %dma_start3A_457 = tpu.memref_squeeze %dma_start3A_456 : memref<1x!tpu.dma_semaphore, #tpu.memory_space<semaphore_mem>> -> memref<!tpu.dma_semaphore, #tpu.memory_space<semaphore_mem>>
        tpu.enqueue_indirect_dma source(%dma_start3A_455 : memref<3120x128xf32, #tpu.memory_space<vmem_shared>>) target(%dma_start3A_449 : memref<128x128xf32, #tpu.memory_space<vmem>>) offsets(%dma_start3A_452 : memref<128xi32, #tpu.memory_space<vmem>>) semaphore(%dma_start3A_457 : memref<!tpu.dma_semaphore, #tpu.memory_space<semaphore_mem>>)
      } else {
      }
      %add3A_418 = arith.constant 4 : i32
      %add3A_419 = arith.addi %add3A_368, %add3A_418 : i32
      %lt3A_420 = arith.constant 200 : i32
      %lt3A_421 = arith.cmpi slt, %add3A_419, %lt3A_420 : i32
      %convert_element_type3A_422 = arith.extui %lt3A_421 : i1 to i32
      %cond3A_423 = arith.constant 0 : i32
      %cond3A_424 = arith.cmpi ne, %convert_element_type3A_422, %cond3A_423 : i32
      scf.if %cond3A_424 {
        %add3A_426 = arith.constant 4 : i32
        %add3A_427 = arith.addi %add3A_368, %add3A_426 : i32
        %add3A_428 = arith.addi %mul3A_2, %add3A_427 : i32
        %dma_start3A_429 = arith.constant 3 : i32
        %dma_start3A_430 = arith.constant 3 : i32
        %dma_start3A_431 = arith.constant 0 : i32
        %dma_start3A_432 = arith.constant 0 : i32
        %dma_start3A_433 = tpu.memref_slice %arg5[%dma_start3A_429, %dma_start3A_431, %dma_start3A_432] : memref<4x1x128xi32, #tpu.memory_space<vmem>> -> memref<1x1x128xi32, #tpu.memory_space<vmem>>
        %dma_start3A_434 = tpu.memref_squeeze %dma_start3A_433 : memref<1x1x128xi32, #tpu.memory_space<vmem>> -> memref<1x128xi32, #tpu.memory_space<vmem>>
        %dma_start3A_435 = arith.constant 0 : i32
        %dma_start3A_436 = tpu.memref_slice %arg3[%add3A_428, %dma_start3A_435] : memref<6400x128xi32, #tpu.memory_space<hbm>> -> memref<1x128xi32, #tpu.memory_space<hbm>>
        %dma_start3A_437 = tpu.memref_slice %arg8[%dma_start3A_430] : memref<4x!tpu.dma_semaphore, #tpu.memory_space<semaphore_mem>> -> memref<1x!tpu.dma_semaphore, #tpu.memory_space<semaphore_mem>>
        %dma_start3A_438 = tpu.memref_squeeze %dma_start3A_437 : memref<1x!tpu.dma_semaphore, #tpu.memory_space<semaphore_mem>> -> memref<!tpu.dma_semaphore, #tpu.memory_space<semaphore_mem>>
        %dma_start3A_439 = arith.constant 0 : i32
        %dma_start3A_440 = arith.constant 0 : i32
        %dma_start3A_441 = tpu.memref_slice %arg5[%dma_start3A_429, %dma_start3A_439, %dma_start3A_440] : memref<4x1x128xi32, #tpu.memory_space<vmem>> -> memref<1x1x128xi32, #tpu.memory_space<vmem>>
        %dma_start3A_442 = tpu.memref_squeeze %dma_start3A_441 : memref<1x1x128xi32, #tpu.memory_space<vmem>> -> memref<1x128xi32, #tpu.memory_space<vmem>>
        %dma_start3A_443 = arith.constant 0 : i32
        %dma_start3A_444 = tpu.memref_slice %arg3[%add3A_428, %dma_start3A_443] : memref<6400x128xi32, #tpu.memory_space<hbm>> -> memref<1x128xi32, #tpu.memory_space<hbm>>
        tpu.enqueue_dma source(%dma_start3A_444 : memref<1x128xi32, #tpu.memory_space<hbm>>) target(%dma_start3A_442 : memref<1x128xi32, #tpu.memory_space<vmem>>) target_semaphore(%dma_start3A_438 : memref<!tpu.dma_semaphore, #tpu.memory_space<semaphore_mem>>)
      } else {
      }
      %scan3A_425 = arith.constant 0 : i32
      scf.yield %scan3A_425 : i32
    }
    %scan3A_148 = arith.constant 50 : i32
    %mul3A_149 = arith.constant 128 : i32
    %mul3A_150 = arith.muli %mul3A_2, %mul3A_149 : i32
    %dma_wait3A_151 = arith.constant 2 : i32
    %dma_wait3A_152 = arith.constant 2 : i32
    %dma_wait3A_153 = arith.constant 0 : i32
    %dma_wait3A_154 = arith.constant 0 : i32
    %dma_wait3A_155 = tpu.memref_slice %arg6[%dma_wait3A_151, %dma_wait3A_153, %dma_wait3A_154] : memref<4x128x128xf32, #tpu.memory_space<vmem>> -> memref<1x128x128xf32, #tpu.memory_space<vmem>>
    %dma_wait3A_156 = tpu.memref_squeeze %dma_wait3A_155 : memref<1x128x128xf32, #tpu.memory_space<vmem>> -> memref<128x128xf32, #tpu.memory_space<vmem>>
    %dma_wait3A_157 = arith.constant 0 : i32
    %dma_wait3A_158 = tpu.memref_slice %arg4[%mul3A_150, %dma_wait3A_157] : memref<819200x128xf32, #tpu.memory_space<hbm>> -> memref<128x128xf32, #tpu.memory_space<hbm>>
    %dma_wait3A_159 = tpu.memref_slice %arg10[%dma_wait3A_152] : memref<4x!tpu.dma_semaphore, #tpu.memory_space<semaphore_mem>> -> memref<1x!tpu.dma_semaphore, #tpu.memory_space<semaphore_mem>>
    %dma_wait3A_160 = tpu.memref_squeeze %dma_wait3A_159 : memref<1x!tpu.dma_semaphore, #tpu.memory_space<semaphore_mem>> -> memref<!tpu.dma_semaphore, #tpu.memory_space<semaphore_mem>>
    %dma_wait3A_161 = arith.constant 0 : i32
    %dma_wait3A_162 = tpu.memref_slice %arg4[%mul3A_150, %dma_wait3A_161] : memref<819200x128xf32, #tpu.memory_space<hbm>> -> memref<128x128xf32, #tpu.memory_space<hbm>>
    %dma_wait3A_163 = arith.constant 0 : i32
    %dma_wait3A_164 = arith.constant 0 : i32
    %dma_wait3A_165 = tpu.memref_slice %arg6[%dma_wait3A_151, %dma_wait3A_163, %dma_wait3A_164] : memref<4x128x128xf32, #tpu.memory_space<vmem>> -> memref<1x128x128xf32, #tpu.memory_space<vmem>>
    %dma_wait3A_166 = tpu.memref_squeeze %dma_wait3A_165 : memref<1x128x128xf32, #tpu.memory_space<vmem>> -> memref<128x128xf32, #tpu.memory_space<vmem>>
    tpu.wait_dma2 semaphore(%dma_wait3A_160 : memref<!tpu.dma_semaphore, #tpu.memory_space<semaphore_mem>>) src(%dma_wait3A_166 : memref<128x128xf32, #tpu.memory_space<vmem>>) dst(%dma_wait3A_162 : memref<128x128xf32, #tpu.memory_space<hbm>>)
    %mul3A_167 = arith.constant 128 : i32
    %mul3A_168 = arith.muli %mul3A_2, %mul3A_167 : i32
    %dma_wait3A_169 = arith.constant 3 : i32
    %dma_wait3A_170 = arith.constant 3 : i32
    %dma_wait3A_171 = arith.constant 0 : i32
    %dma_wait3A_172 = arith.constant 0 : i32
    %dma_wait3A_173 = tpu.memref_slice %arg6[%dma_wait3A_169, %dma_wait3A_171, %dma_wait3A_172] : memref<4x128x128xf32, #tpu.memory_space<vmem>> -> memref<1x128x128xf32, #tpu.memory_space<vmem>>
    %dma_wait3A_174 = tpu.memref_squeeze %dma_wait3A_173 : memref<1x128x128xf32, #tpu.memory_space<vmem>> -> memref<128x128xf32, #tpu.memory_space<vmem>>
    %dma_wait3A_175 = arith.constant 0 : i32
    %dma_wait3A_176 = tpu.memref_slice %arg4[%mul3A_168, %dma_wait3A_175] : memref<819200x128xf32, #tpu.memory_space<hbm>> -> memref<128x128xf32, #tpu.memory_space<hbm>>
    %dma_wait3A_177 = tpu.memref_slice %arg10[%dma_wait3A_170] : memref<4x!tpu.dma_semaphore, #tpu.memory_space<semaphore_mem>> -> memref<1x!tpu.dma_semaphore, #tpu.memory_space<semaphore_mem>>
    %dma_wait3A_178 = tpu.memref_squeeze %dma_wait3A_177 : memref<1x!tpu.dma_semaphore, #tpu.memory_space<semaphore_mem>> -> memref<!tpu.dma_semaphore, #tpu.memory_space<semaphore_mem>>
    %dma_wait3A_179 = arith.constant 0 : i32
    %dma_wait3A_180 = tpu.memref_slice %arg4[%mul3A_168, %dma_wait3A_179] : memref<819200x128xf32, #tpu.memory_space<hbm>> -> memref<128x128xf32, #tpu.memory_space<hbm>>
    %dma_wait3A_181 = arith.constant 0 : i32
    %dma_wait3A_182 = arith.constant 0 : i32
    %dma_wait3A_183 = tpu.memref_slice %arg6[%dma_wait3A_169, %dma_wait3A_181, %dma_wait3A_182] : memref<4x128x128xf32, #tpu.memory_space<vmem>> -> memref<1x128x128xf32, #tpu.memory_space<vmem>>
    %dma_wait3A_184 = tpu.memref_squeeze %dma_wait3A_183 : memref<1x128x128xf32, #tpu.memory_space<vmem>> -> memref<128x128xf32, #tpu.memory_space<vmem>>
    tpu.wait_dma2 semaphore(%dma_wait3A_178 : memref<!tpu.dma_semaphore, #tpu.memory_space<semaphore_mem>>) src(%dma_wait3A_184 : memref<128x128xf32, #tpu.memory_space<vmem>>) dst(%dma_wait3A_180 : memref<128x128xf32, #tpu.memory_space<hbm>>)
    return
  }
}

module attributes {stable_mosaic.version = 14 : i64} {
  func.func @_prep_body(%arg0: i32, %arg1: memref<32x128xf32, #tpu.memory_space<vmem>>, %arg2: memref<50x4096xi32, #tpu.memory_space<vmem>>, %arg3: memref<50x4096xi32, #tpu.memory_space<vmem>>, %arg4: memref<50x4096xi32, #tpu.memory_space<vmem>>, %arg5: memref<50x4096xi32, #tpu.memory_space<vmem>>, %arg6: memref<50x4096xi32, #tpu.memory_space<vmem>>, %arg7: memref<3120x128xf32, #tpu.memory_space<vmem>>) attributes {dimension_semantics = [#tpu.dimension_semantics<arbitrary>], iteration_bounds = array<i64: 4>, scalar_prefetch = 0 : i64, scratch_operands = 0 : i64, tpu.core_type = #tpu.core_type<tc>, window_params = [{pipeline_mode = #tpu.pipeline_mode<synchronous>, transform_indices = @transform_0, window_bounds = array<i64: 32, 128>}, {transform_indices = @transform_1, window_bounds = array<i64: 50, 4096>}, {transform_indices = @transform_2, window_bounds = array<i64: 50, 4096>}, {transform_indices = @transform_3, window_bounds = array<i64: 50, 4096>}, {transform_indices = @transform_4, window_bounds = array<i64: 50, 4096>}, {transform_indices = @transform_5, window_bounds = array<i64: 50, 4096>}, {pipeline_mode = #tpu.pipeline_mode<synchronous>, transform_indices = @transform_6, window_bounds = array<i64: 3120, 128>}]} {
    %eq3A = arith.constant 0 : i32
    %eq3A_0 = arith.cmpi eq, %arg0, %eq3A : i32
    %convert_element_type3A = arith.extui %eq3A_0 : i1 to i32
    %cond3A = arith.constant 0 : i32
    %cond3A_1 = arith.cmpi ne, %convert_element_type3A, %cond3A : i32
    scf.if %cond3A_1 {
      %iota3A = tpu.iota {dimensions = array<i32: 0>} : vector<3120x32xi32>
      %iota3A_25 = tpu.iota {dimensions = array<i32: 1>} : vector<3120x32xi32>
      %jit3A = arith.constant 60 : i32
      %div3A = vector.broadcast %jit3A : i32 to vector<3120x32xi32>
      %div3A_26 = arith.divsi %iota3A, %div3A : vector<3120x32xi32>
      %sign3A = arith.constant 0 : i32
      %sign3A_27 = vector.broadcast %sign3A : i32 to vector<3120x32xi32>
      %sign3A_28 = arith.cmpi sgt, %iota3A, %sign3A_27 : vector<3120x32xi32>
      %sign3A_29 = arith.extui %sign3A_28 : vector<3120x32xi1> to vector<3120x32xi32>
      %sign3A_30 = arith.constant 0 : i32
      %sign3A_31 = vector.broadcast %sign3A_30 : i32 to vector<3120x32xi32>
      %sign3A_32 = arith.cmpi slt, %iota3A, %sign3A_31 : vector<3120x32xi32>
      %sign3A_33 = arith.extui %sign3A_32 : vector<3120x32xi1> to vector<3120x32xi32>
      %sign3A_34 = arith.subi %sign3A_29, %sign3A_33 : vector<3120x32xi32>
      %sign3A_35 = arith.constant 0 : i32
      %sign3A_36 = arith.cmpi sgt, %jit3A, %sign3A_35 : i32
      %sign3A_37 = arith.extui %sign3A_36 : i1 to i32
      %sign3A_38 = arith.constant 0 : i32
      %sign3A_39 = arith.cmpi slt, %jit3A, %sign3A_38 : i32
      %sign3A_40 = arith.extui %sign3A_39 : i1 to i32
      %sign3A_41 = arith.subi %sign3A_37, %sign3A_40 : i32
      %ne3A = vector.broadcast %sign3A_41 : i32 to vector<3120x32xi32>
      %ne3A_42 = arith.cmpi ne, %sign3A_34, %ne3A : vector<3120x32xi32>
      %rem3A = vector.broadcast %jit3A : i32 to vector<3120x32xi32>
      %rem3A_43 = arith.remsi %iota3A, %rem3A : vector<3120x32xi32>
      %ne3A_44 = arith.constant 0 : i32
      %ne3A_45 = vector.broadcast %ne3A_44 : i32 to vector<3120x32xi32>
      %ne3A_46 = arith.cmpi ne, %rem3A_43, %ne3A_45 : vector<3120x32xi32>
      %and3A = arith.andi %ne3A_42, %ne3A_46 : vector<3120x32xi1>
      %sub3A = arith.constant 1 : i32
      %sub3A_47 = vector.broadcast %sub3A : i32 to vector<3120x32xi32>
      %sub3A_48 = arith.subi %div3A_26, %sub3A_47 : vector<3120x32xi32>
      %select_n3A = arith.select %and3A, %sub3A_48, %div3A_26 : vector<3120x32xi1>, vector<3120x32xi32>
      %mul3A_49 = arith.constant 60 : i32
      %mul3A_50 = vector.broadcast %mul3A_49 : i32 to vector<3120x32xi32>
      %mul3A_51 = arith.muli %select_n3A, %mul3A_50 : vector<3120x32xi32>
      %sub3A_52 = arith.subi %iota3A, %mul3A_51 : vector<3120x32xi32>
      %jit3A_53 = arith.constant 13 : i32
      %div3A_54 = vector.broadcast %jit3A_53 : i32 to vector<3120x32xi32>
      %div3A_55 = arith.divsi %select_n3A, %div3A_54 : vector<3120x32xi32>
      %sign3A_56 = arith.constant 0 : i32
      %sign3A_57 = vector.broadcast %sign3A_56 : i32 to vector<3120x32xi32>
      %sign3A_58 = arith.cmpi sgt, %select_n3A, %sign3A_57 : vector<3120x32xi32>
      %sign3A_59 = arith.extui %sign3A_58 : vector<3120x32xi1> to vector<3120x32xi32>
      %sign3A_60 = arith.constant 0 : i32
      %sign3A_61 = vector.broadcast %sign3A_60 : i32 to vector<3120x32xi32>
      %sign3A_62 = arith.cmpi slt, %select_n3A, %sign3A_61 : vector<3120x32xi32>
      %sign3A_63 = arith.extui %sign3A_62 : vector<3120x32xi1> to vector<3120x32xi32>
      %sign3A_64 = arith.subi %sign3A_59, %sign3A_63 : vector<3120x32xi32>
      %sign3A_65 = arith.constant 0 : i32
      %sign3A_66 = arith.cmpi sgt, %jit3A_53, %sign3A_65 : i32
      %sign3A_67 = arith.extui %sign3A_66 : i1 to i32
      %sign3A_68 = arith.constant 0 : i32
      %sign3A_69 = arith.cmpi slt, %jit3A_53, %sign3A_68 : i32
      %sign3A_70 = arith.extui %sign3A_69 : i1 to i32
      %sign3A_71 = arith.subi %sign3A_67, %sign3A_70 : i32
      %ne3A_72 = vector.broadcast %sign3A_71 : i32 to vector<3120x32xi32>
      %ne3A_73 = arith.cmpi ne, %sign3A_64, %ne3A_72 : vector<3120x32xi32>
      %rem3A_74 = vector.broadcast %jit3A_53 : i32 to vector<3120x32xi32>
      %rem3A_75 = arith.remsi %select_n3A, %rem3A_74 : vector<3120x32xi32>
      %ne3A_76 = arith.constant 0 : i32
      %ne3A_77 = vector.broadcast %ne3A_76 : i32 to vector<3120x32xi32>
      %ne3A_78 = arith.cmpi ne, %rem3A_75, %ne3A_77 : vector<3120x32xi32>
      %and3A_79 = arith.andi %ne3A_73, %ne3A_78 : vector<3120x32xi1>
      %sub3A_80 = arith.constant 1 : i32
      %sub3A_81 = vector.broadcast %sub3A_80 : i32 to vector<3120x32xi32>
      %sub3A_82 = arith.subi %div3A_55, %sub3A_81 : vector<3120x32xi32>
      %select_n3A_83 = arith.select %and3A_79, %sub3A_82, %div3A_55 : vector<3120x32xi1>, vector<3120x32xi32>
      %mul3A_84 = arith.constant 13 : i32
      %mul3A_85 = vector.broadcast %mul3A_84 : i32 to vector<3120x32xi32>
      %mul3A_86 = arith.muli %select_n3A_83, %mul3A_85 : vector<3120x32xi32>
      %sub3A_87 = arith.subi %select_n3A, %mul3A_86 : vector<3120x32xi32>
      %jit3A_88 = arith.constant 15 : i32
      %div3A_89 = vector.broadcast %jit3A_88 : i32 to vector<3120x32xi32>
      %div3A_90 = arith.divsi %sub3A_52, %div3A_89 : vector<3120x32xi32>
      %sign3A_91 = arith.constant 0 : i32
      %sign3A_92 = vector.broadcast %sign3A_91 : i32 to vector<3120x32xi32>
      %sign3A_93 = arith.cmpi sgt, %sub3A_52, %sign3A_92 : vector<3120x32xi32>
      %sign3A_94 = arith.extui %sign3A_93 : vector<3120x32xi1> to vector<3120x32xi32>
      %sign3A_95 = arith.constant 0 : i32
      %sign3A_96 = vector.broadcast %sign3A_95 : i32 to vector<3120x32xi32>
      %sign3A_97 = arith.cmpi slt, %sub3A_52, %sign3A_96 : vector<3120x32xi32>
      %sign3A_98 = arith.extui %sign3A_97 : vector<3120x32xi1> to vector<3120x32xi32>
      %sign3A_99 = arith.subi %sign3A_94, %sign3A_98 : vector<3120x32xi32>
      %sign3A_100 = arith.constant 0 : i32
      %sign3A_101 = arith.cmpi sgt, %jit3A_88, %sign3A_100 : i32
      %sign3A_102 = arith.extui %sign3A_101 : i1 to i32
      %sign3A_103 = arith.constant 0 : i32
      %sign3A_104 = arith.cmpi slt, %jit3A_88, %sign3A_103 : i32
      %sign3A_105 = arith.extui %sign3A_104 : i1 to i32
      %sign3A_106 = arith.subi %sign3A_102, %sign3A_105 : i32
      %ne3A_107 = vector.broadcast %sign3A_106 : i32 to vector<3120x32xi32>
      %ne3A_108 = arith.cmpi ne, %sign3A_99, %ne3A_107 : vector<3120x32xi32>
      %rem3A_109 = vector.broadcast %jit3A_88 : i32 to vector<3120x32xi32>
      %rem3A_110 = arith.remsi %sub3A_52, %rem3A_109 : vector<3120x32xi32>
      %ne3A_111 = arith.constant 0 : i32
      %ne3A_112 = vector.broadcast %ne3A_111 : i32 to vector<3120x32xi32>
      %ne3A_113 = arith.cmpi ne, %rem3A_110, %ne3A_112 : vector<3120x32xi32>
      %and3A_114 = arith.andi %ne3A_108, %ne3A_113 : vector<3120x32xi1>
      %sub3A_115 = arith.constant 1 : i32
      %sub3A_116 = vector.broadcast %sub3A_115 : i32 to vector<3120x32xi32>
      %sub3A_117 = arith.subi %div3A_90, %sub3A_116 : vector<3120x32xi32>
      %select_n3A_118 = arith.select %and3A_114, %sub3A_117, %div3A_90 : vector<3120x32xi1>, vector<3120x32xi32>
      %mul3A_119 = arith.constant 15 : i32
      %mul3A_120 = vector.broadcast %mul3A_119 : i32 to vector<3120x32xi32>
      %mul3A_121 = arith.muli %select_n3A_118, %mul3A_120 : vector<3120x32xi32>
      %sub3A_122 = arith.subi %sub3A_52, %mul3A_121 : vector<3120x32xi32>
      %jit3A_123 = arith.constant 5 : i32
      %div3A_124 = vector.broadcast %jit3A_123 : i32 to vector<3120x32xi32>
      %div3A_125 = arith.divsi %sub3A_122, %div3A_124 : vector<3120x32xi32>
      %sign3A_126 = arith.constant 0 : i32
      %sign3A_127 = vector.broadcast %sign3A_126 : i32 to vector<3120x32xi32>
      %sign3A_128 = arith.cmpi sgt, %sub3A_122, %sign3A_127 : vector<3120x32xi32>
      %sign3A_129 = arith.extui %sign3A_128 : vector<3120x32xi1> to vector<3120x32xi32>
      %sign3A_130 = arith.constant 0 : i32
      %sign3A_131 = vector.broadcast %sign3A_130 : i32 to vector<3120x32xi32>
      %sign3A_132 = arith.cmpi slt, %sub3A_122, %sign3A_131 : vector<3120x32xi32>
      %sign3A_133 = arith.extui %sign3A_132 : vector<3120x32xi1> to vector<3120x32xi32>
      %sign3A_134 = arith.subi %sign3A_129, %sign3A_133 : vector<3120x32xi32>
      %sign3A_135 = arith.constant 0 : i32
      %sign3A_136 = arith.cmpi sgt, %jit3A_123, %sign3A_135 : i32
      %sign3A_137 = arith.extui %sign3A_136 : i1 to i32
      %sign3A_138 = arith.constant 0 : i32
      %sign3A_139 = arith.cmpi slt, %jit3A_123, %sign3A_138 : i32
      %sign3A_140 = arith.extui %sign3A_139 : i1 to i32
      %sign3A_141 = arith.subi %sign3A_137, %sign3A_140 : i32
      %ne3A_142 = vector.broadcast %sign3A_141 : i32 to vector<3120x32xi32>
      %ne3A_143 = arith.cmpi ne, %sign3A_134, %ne3A_142 : vector<3120x32xi32>
      %rem3A_144 = vector.broadcast %jit3A_123 : i32 to vector<3120x32xi32>
      %rem3A_145 = arith.remsi %sub3A_122, %rem3A_144 : vector<3120x32xi32>
      %ne3A_146 = arith.constant 0 : i32
      %ne3A_147 = vector.broadcast %ne3A_146 : i32 to vector<3120x32xi32>
      %ne3A_148 = arith.cmpi ne, %rem3A_145, %ne3A_147 : vector<3120x32xi32>
      %and3A_149 = arith.andi %ne3A_143, %ne3A_148 : vector<3120x32xi1>
      %sub3A_150 = arith.constant 1 : i32
      %sub3A_151 = vector.broadcast %sub3A_150 : i32 to vector<3120x32xi32>
      %sub3A_152 = arith.subi %div3A_125, %sub3A_151 : vector<3120x32xi32>
      %select_n3A_153 = arith.select %and3A_149, %sub3A_152, %div3A_125 : vector<3120x32xi1>, vector<3120x32xi32>
      %mul3A_154 = arith.constant 5 : i32
      %mul3A_155 = vector.broadcast %mul3A_154 : i32 to vector<3120x32xi32>
      %mul3A_156 = arith.muli %select_n3A_153, %mul3A_155 : vector<3120x32xi32>
      %sub3A_157 = arith.subi %sub3A_122, %mul3A_156 : vector<3120x32xi32>
      %eq3A_158 = arith.cmpi eq, %iota3A_25, %sub3A_87 : vector<3120x32xi32>
      %add3A_159 = arith.constant 13 : i32
      %add3A_160 = vector.broadcast %add3A_159 : i32 to vector<3120x32xi32>
      %add3A_161 = arith.addi %add3A_160, %select_n3A_83 : vector<3120x32xi32>
      %eq3A_162 = arith.cmpi eq, %iota3A_25, %add3A_161 : vector<3120x32xi32>
      %or3A = arith.ori %eq3A_158, %eq3A_162 : vector<3120x32xi1>
      %add3A_163 = arith.constant 17 : i32
      %add3A_164 = vector.broadcast %add3A_163 : i32 to vector<3120x32xi32>
      %add3A_165 = arith.addi %add3A_164, %select_n3A_118 : vector<3120x32xi32>
      %eq3A_166 = arith.cmpi eq, %iota3A_25, %add3A_165 : vector<3120x32xi32>
      %or3A_167 = arith.ori %or3A, %eq3A_166 : vector<3120x32xi1>
      %add3A_168 = arith.constant 21 : i32
      %add3A_169 = vector.broadcast %add3A_168 : i32 to vector<3120x32xi32>
      %add3A_170 = arith.addi %add3A_169, %select_n3A_153 : vector<3120x32xi32>
      %eq3A_171 = arith.cmpi eq, %iota3A_25, %add3A_170 : vector<3120x32xi32>
      %or3A_172 = arith.ori %or3A_167, %eq3A_171 : vector<3120x32xi1>
      %add3A_173 = arith.constant 24 : i32
      %add3A_174 = vector.broadcast %add3A_173 : i32 to vector<3120x32xi32>
      %add3A_175 = arith.addi %add3A_174, %sub3A_157 : vector<3120x32xi32>
      %eq3A_176 = arith.cmpi eq, %iota3A_25, %add3A_175 : vector<3120x32xi32>
      %or3A_177 = arith.ori %or3A_172, %eq3A_176 : vector<3120x32xi1>
      %convert_element_type3A_178 = arith.extui %or3A_177 : vector<3120x32xi1> to vector<3120x32xi32>
      %convert_element_type3A_179 = arith.sitofp %convert_element_type3A_178 : vector<3120x32xi32> to vector<3120x32xf32>
      %get3A_180 = arith.constant 0 : index
      %get3A_181 = arith.constant 0 : index
      %get3A_182 = vector.load %arg1[%get3A_180, %get3A_181] : memref<32x128xf32, #tpu.memory_space<vmem>>, vector<32x128xf32>
      %dot_general3A = arith.constant dense<0.000000e+00> : vector<3120x128xf32>
      %dot_general3A_183 = tpu.matmul %convert_element_type3A_179, %get3A_182, %dot_general3A {dimension_numbers = #tpu.dot_dimension_numbers<[1], [0], [0], [1], [0, 0, 1, 1], [], []>, transpose_lhs_hint = false} : vector<3120x32xf32>, vector<32x128xf32>, vector<3120x128xf32> -> vector<3120x128xf32>
      %swap3A_184 = arith.constant 0 : index
      %swap3A_185 = arith.constant 0 : index
      %swap3A_186 = vector.load %arg7[%swap3A_184, %swap3A_185] : memref<3120x128xf32, #tpu.memory_space<vmem>>, vector<3120x128xf32>
      tpu.vector_store %arg7[%swap3A_184, %swap3A_185], %dot_general3A_183 {strides = array<i32>} : memref<3120x128xf32, #tpu.memory_space<vmem>>, vector<3120x128xf32>,
    } else {
    }
    %get3A = arith.constant 0 : index
    %get3A_2 = arith.constant 0 : index
    %get3A_3 = vector.load %arg2[%get3A, %get3A_2] : memref<50x4096xi32, #tpu.memory_space<vmem>>, vector<50x4096xi32>
    %mul3A = arith.constant 60 : i32
    %mul3A_4 = vector.broadcast %mul3A : i32 to vector<50x4096xi32>
    %mul3A_5 = arith.muli %get3A_3, %mul3A_4 : vector<50x4096xi32>
    %get3A_6 = arith.constant 0 : index
    %get3A_7 = arith.constant 0 : index
    %get3A_8 = vector.load %arg3[%get3A_6, %get3A_7] : memref<50x4096xi32, #tpu.memory_space<vmem>>, vector<50x4096xi32>
    %mul3A_9 = arith.constant 15 : i32
    %mul3A_10 = vector.broadcast %mul3A_9 : i32 to vector<50x4096xi32>
    %mul3A_11 = arith.muli %get3A_8, %mul3A_10 : vector<50x4096xi32>
    %add3A = arith.addi %mul3A_5, %mul3A_11 : vector<50x4096xi32>
    %get3A_12 = arith.constant 0 : index
    %get3A_13 = arith.constant 0 : index
    %get3A_14 = vector.load %arg4[%get3A_12, %get3A_13] : memref<50x4096xi32, #tpu.memory_space<vmem>>, vector<50x4096xi32>
    %mul3A_15 = arith.constant 5 : i32
    %mul3A_16 = vector.broadcast %mul3A_15 : i32 to vector<50x4096xi32>
    %mul3A_17 = arith.muli %get3A_14, %mul3A_16 : vector<50x4096xi32>
    %add3A_18 = arith.addi %add3A, %mul3A_17 : vector<50x4096xi32>
    %get3A_19 = arith.constant 0 : index
    %get3A_20 = arith.constant 0 : index
    %get3A_21 = vector.load %arg5[%get3A_19, %get3A_20] : memref<50x4096xi32, #tpu.memory_space<vmem>>, vector<50x4096xi32>
    %add3A_22 = arith.addi %add3A_18, %get3A_21 : vector<50x4096xi32>
    %swap3A = arith.constant 0 : index
    %swap3A_23 = arith.constant 0 : index
    %swap3A_24 = vector.load %arg6[%swap3A, %swap3A_23] : memref<50x4096xi32, #tpu.memory_space<vmem>>, vector<50x4096xi32>
    tpu.vector_store %arg6[%swap3A, %swap3A_23], %add3A_22 {strides = array<i32>} : memref<50x4096xi32, #tpu.memory_space<vmem>>, vector<50x4096xi32>,
    return
  }
  func.func @transform_0(%arg0: i32) -> (i32, i32) {
    %c0_i32 = arith.constant 0 : i32
    %c0_i32_0 = arith.constant 0 : i32
    %c0_i32_1 = arith.constant 0 : i32
    return %c0_i32, %c0_i32_0 : i32, i32
  }
  func.func @transform_1(%arg0: i32) -> (i32, i32) {
    %c0_i32 = arith.constant 0 : i32
    %c0_i32_0 = arith.constant 0 : i32
    return %c0_i32, %arg0 : i32, i32
  }
  func.func @transform_2(%arg0: i32) -> (i32, i32) {
    %c0_i32 = arith.constant 0 : i32
    %c0_i32_0 = arith.constant 0 : i32
    return %c0_i32, %arg0 : i32, i32
  }
  func.func @transform_3(%arg0: i32) -> (i32, i32) {
    %c0_i32 = arith.constant 0 : i32
    %c0_i32_0 = arith.constant 0 : i32
    return %c0_i32, %arg0 : i32, i32
  }
  func.func @transform_4(%arg0: i32) -> (i32, i32) {
    %c0_i32 = arith.constant 0 : i32
    %c0_i32_0 = arith.constant 0 : i32
    return %c0_i32, %arg0 : i32, i32
  }
  func.func @transform_5(%arg0: i32) -> (i32, i32) {
    %c0_i32 = arith.constant 0 : i32
    %c0_i32_0 = arith.constant 0 : i32
    return %c0_i32, %arg0 : i32, i32
  }
  func.func @transform_6(%arg0: i32) -> (i32, i32) {
    %c0_i32 = arith.constant 0 : i32
    %c0_i32_0 = arith.constant 0 : i32
    %c0_i32_1 = arith.constant 0 : i32
    return %c0_i32, %c0_i32_0 : i32, i32
  }
}

</mosaic_0001>

<sc_bundles>
// kernel: kernel.4.cloned.1.call-start
scs
__scs_entry_jumppad:
0x0: {  	(pc) =	sbr.rel $0x88, $3  }
0x1: {  	(tag) =	ssettag $0x0;
	lr =	simm.s32 $0x1  }
0x2: {  	[smem:$0x3F98] =	sst lr;
	_ =	strace $0xD0000000  }
0x3: {  	_ = 	snop  }
0x4: {  	_ = 	snop  }
0x5: {  	_ = 	snop  }
0x6: {  	_ = 	snop  }
0x7: {  	_ = 	snop  }
__scs_overlays_trampoline_lowered:
0x8: {  	[smem:$0x3FA7] =	sst s0  }
0x9: {  	[smem:$0x3FA8] =	sst s1  }
0xa: {  	[smem:$0x3FA9] =	sst s2  }
0xb: {  	[smem:$0x3FAA] =	sst s3  }
0xc: {  	[smem:$0x3FAB] =	sst s4  }
0xd: {  	[smem:$0x3FAC] =	sst s5  }
0xe: {  	[smem:$0x3FAD] =	sst s6  }
0xf: {  	[smem:$0x3FAE] =	sst s7  }
0x10: {  	[smem:$0x3FAF] =	sst s8  }
0x11: {  	[smem:$0x3FB0] =	sst s9;
	s0 =	simm.s32 @!p0 $0x0  }
0x12: {  	s1 =	sld [smem:$0x3F96];
	s0 =	simm.s32 @p0 $0x1  }
0x13: {  	[smem:$0x3FB1] =	sst s0;
	s0 =	simm.s32 @!p1 $0x0  }
0x14: {  	s2 =	sld [smem:$0x3F95];
	s0 =	simm.s32 @p1 $0x1  }
0x15: {  	[smem:$0x3FB2] =	sst s0;
	s0 =	simm.s32 @!p2 $0x0  }
0x16: {  	s3 =	sld [smem:$0x3FDB];
	s0 =	simm.s32 @p2 $0x1  }
0x17: {  	s4 =	simm.s32 $0x1BF5;
	[smem:$0x3FB4] =	sst s0  }
0x18: {  	s0 =	sld [smem:$0x3F97];
	_ =	swait.ge [sflag:s4], $0x0  }
0x19: {  	s7 =	sld [smem:$0x3F98]  }
0x1a: {  	s8 =	sadd.s32 $0xFFFFE003, lr  }
0x1b: {  	s9 =	sadd.s32 $0xFFFFFEF7, lr;
	s5 =	simm.s32 $0xFFFFFFFF;
	p2 =	slt.u32 s8, $0xFFFFF086  }
0x1c: {  	p1 =	slt.u32 s9, $0xF7A;
	s5 =	simm.s32 @!p2 $0x0  }
0x1d: {  	s5 =	simm.s32 @p1 $0x1;
	p0 =	seq.s32 s7, s2  }
0x1e: {  	s7 =	smul.u32 @!p0 $0xF7A, s2;
	p2 =	seq.s32 @!p0 s5, $0x0  }
0x1f: {  	s9 =	smul.u32 $0xF7A, s1;
	s8 =	simm.s32 @!p0 $0x1BF5;
	p2 =	por !p2, p0  }
0x20: {  	[sflag:s8] =	ssyncset.s32 @!p0 $0xFFFFF086;
	s6 =	sadd.s32 @!p0 s3, s7;
	s7 =	simm.s32 @!p0 $0x108  }
0x21: {  	s3 =	sadd.s32 s3, s9;
	s6 =	sadd.s32 @!p0 $0x88, s6;
	s7 =	simm.s32 @p2 $0x1082  }
0x22: {  	[simem:s7], [sflag:s8] =	dma.local @!p0 [hbm:s6], $0xF7A  }
0x23: {  	s9 =	sor.u32 $0xD0000000, s2;
	s6 =	simm.s32 $0x108;
	_ =	swait.ge @!p0 [sflag:s8], $0x0  }
0x24: {  	s3 =	sadd.s32 $0x88, s3;
	s6 =	simm.s32 @!p1 $0x1082;
	[sflag:s4] =	ssyncset.s32 $0xFFFFF086  }
0x25: {  	[simem:s6], [sflag:s4] =	dma.local [hbm:s3], $0xF7A  }
0x26: {  	[smem:$0x3F98] =	sst s1;
	(tag) =	ssettag s2;
	_ =	strace s9  }
0x27: {  	s1 =	sld [smem:$0x3FA8]  }
0x28: {  	s2 =	sld [smem:$0x3FA9]  }
0x29: {  	s4 =	sld [smem:$0x3FAB]  }
0x2a: {  	p0 =	seq.s32 s5, $0x0;
	s5 =	sld [smem:$0x3FAC]  }
0x2b: {  	s6 =	sld [smem:$0x3FAD]  }
0x2c: {  	s7 =	sld [smem:$0x3FAE]  }
0x2d: {  	s3 =	simm.s32 $0x108;
	s8 =	sld [smem:$0x3FAF]  }
0x2e: {  	s3 =	simm.s32 @!p0 $0x1082;
	s9 =	sld [smem:$0x3FB0]  }
0x2f: {  	lr =	sadd.s32 s0, s3;
	s0 =	sld [smem:$0x3FA7]  }
0x30: {  	s3 =	sld [smem:$0x3FAA]  }
0x31: {  	[smem:$0x3FB3] =	sst s10  }
0x32: {  	s10 =	sld [smem:$0x3FB1];
	_ =	sdelay $0x3  }
0x33: {  	p0 =	seq.s32 s10, $0x1;
	s10 =	sld [smem:$0x3FB3];
	_ =	sdelay $0x3  }
0x34: {  	[smem:$0x3FB3] =	sst s10  }
0x35: {  	s10 =	sld [smem:$0x3FB2];
	_ =	sdelay $0x3  }
0x36: {  	p1 =	seq.s32 s10, $0x1;
	s10 =	sld [smem:$0x3FB3];
	_ =	sdelay $0x3  }
0x37: {  	[smem:$0x3FB3] =	sst s10  }
0x38: {  	s10 =	sld [smem:$0x3FB4]  }
0x39: {  	_ = 	snop;
	(pc) =	sbr.ind lr, $3  }
0x3a: {  	_ = 	snop  }
0x3b: {  	_ = 	snop  }
0x3c: {  	p2 =	seq.s32 s10, $0x1;
	s10 =	sld [smem:$0x3FB3]  }
0x3d: {  	_ =	shalt  }
0x3e: {  	_ =	shalt  }
0x3f: {  	_ =	shalt  }
0x40: {  	_ =	shalt  }
0x41: {  	_ =	shalt  }
0x42: {  	_ =	shalt  }
0x43: {  	_ =	shalt  }
0x44: {  	_ =	shalt  }
0x45: {  	_ =	shalt  }
0x46: {  	_ =	shalt  }
0x47: {  	_ =	shalt  }
0x48: {  	_ =	shalt  }
0x49: {  	_ =	shalt  }
0x4a: {  	_ =	shalt  }
0x4b: {  	_ =	shalt  }
0x4c: {  	_ =	shalt  }
0x4d: {  	_ =	shalt  }
0x4e: {  	_ =	shalt  }
0x4f: {  	_ =	shalt  }
0x50: {  	_ =	shalt  }
0x51: {  	_ =	shalt  }
0x52: {  	_ =	shalt  }
0x53: {  	_ =	shalt  }
0x54: {  	_ =	shalt  }
0x55: {  	_ =	shalt  }
0x56: {  	_ =	shalt  }
0x57: {  	_ =	shalt  }
0x58: {  	_ =	shalt  }
0x59: {  	_ =	shalt  }
0x5a: {  	_ =	shalt  }
0x5b: {  	_ =	shalt  }
0x5c: {  	_ =	shalt  }
0x5d: {  	_ =	shalt  }
0x5e: {  	_ =	shalt  }
0x5f: {  	_ =	shalt  }
0x60: {  	_ =	shalt  }
0x61: {  	_ =	shalt  }
0x62: {  	_ =	shalt  }
0x63: {  	_ =	shalt  }
0x64: {  	_ =	shalt  }
0x65: {  	_ =	shalt  }
0x66: {  	_ =	shalt  }
0x67: {  	_ =	shalt  }
0x68: {  	_ =	shalt  }
0x69: {  	_ =	shalt  }
0x6a: {  	_ =	shalt  }
0x6b: {  	_ =	shalt  }
0x6c: {  	_ =	shalt  }
0x6d: {  	_ =	shalt  }
0x6e: {  	_ =	shalt  }
0x6f: {  	_ =	shalt  }
0x70: {  	_ =	shalt  }
0x71: {  	_ =	shalt  }
0x72: {  	_ =	shalt  }
0x73: {  	_ =	shalt  }
0x74: {  	_ =	shalt  }
0x75: {  	_ =	shalt  }
0x76: {  	_ =	shalt  }
0x77: {  	_ =	shalt  }
0x78: {  	_ =	shalt  }
0x79: {  	_ =	shalt  }
0x7a: {  	_ =	shalt  }
0x7b: {  	_ =	shalt  }
0x7c: {  	_ =	shalt  }
0x7d: {  	_ =	shalt  }
0x7e: {  	_ =	shalt  }
0x7f: {  	_ =	shalt  }
0x80: {  	_ =	shalt  }
0x81: {  	_ =	shalt  }
0x82: {  	_ =	shalt  }
0x83: {  	_ =	shalt  }
0x84: {  	_ =	shalt  }
0x85: {  	_ =	shalt  }
0x86: {  	_ =	shalt  }
0x87: {  	_ =	shalt  }
.Lfunc_end0:
.L_simem_size_0:
called_computation_lowered:
.L_overlay_start_0:
0x88: {  	s2 =	sld [smem:$0x3FD9]  }
0x89: {  	s3 =	sld [smem:$0x3FFE];
	_ =	sdelay $0x1  }
0x8a: {  	s1 =	srdreg.scid  }
0x8b: {  	s0 =	sand.u32 $0x1, s1  }
0x8c: {  	s17 =	sshll.u32 s0, $0xA;
	s2 =	sadd.s32 s3, s2  }
0x8d: {  	s2 =	sadd.s32 s2, s17  }
0x8e: {  	[smem:$0x3FBF] =	sst s2  }
0x8f: {  	_ = 	snop  }
0x90: {  	s2 =	sld [smem:$0x3FD0];
	(tm) =	ssettm $0x1  }
0x91: {  	s18 =	sld [smem:$0x3FFB];
	_ =	sdelay $0x3  }
0x92: {  	_ =	strace s18  }
0x93: {  	s3 =	sld [smem:$0x3FFC];
	_ =	sdelay $0x3  }
0x94: {  	_ =	strace s3  }
0x95: {  	s3 =	sld [smem:$0x3FFD];
	_ =	sdelay $0x3  }
0x96: {  	_ =	strace s3  }
0x97: {  	_ =	strace $0x8FFFFFFF  }
0x98: {  	s19 =	sld [smem:$0x3FDB];
	_ =	sdelay $0x1  }
0x99: {  	s4 =	simm.s32 $_scs_section_size  }
0x9a: {  	s5 =	simm.s32 $_size__tile_overlayer_lowered;
	s6 =	simm.s32 $_tile_overlayer_lowered  }
0x9b: {  	s22 =	simm.s32 $0x1BFF;
	s21 =	sshll.u32 s6, $0x1;
	s3 =	sadd.s32 s4, s19  }
0x9c: {  	s7 =	simm.s32 $0x0;
	s20 =	sshll.u32 s5, $0x1;
	s5 =	sadd.s32 s21, s3  }
0x9d: {  	[timem:s7], [sflag:s22] =	dma.local [hbm:s5], s20  }
0x9e: {  	_ =	swait.ge [sflag:s22], s20  }
0x9f: {  	s4 =	ssub.s32 $0x0, s20;
	[sflag:s22] =	ssyncset.done $0x0  }
0xa0: {  	[sflag:s22] =	ssyncadd.s32 s4;
	_ =	sdelay $0x1  }
0xa1: {  	s23 =	simm.s32 $0x1B8B  }
0xa2: {  	_ =	swait.ge [sflag:s23], $0x1  }
0xa3: {  	[sflag:s23] =	ssyncset.done $0x0  }
0xa4: {  	s25 =	simm.s32 $0x1B8E;
	s24 =	sld [smem:$0x3FFE];
	[sflag:s23] =	ssyncadd.s32 $0xFFFFFFFF  }
0xa5: {  	s26 =	simm.s32 $execute0_lowered;
	[smem:$0x3FD2] =	sst s25  }
0xa6: {  	s5 =	sshll.u32 s26, $0x1;
	_ =	strace $0x80000046;
	[dreg:$0x1] =	wrdreg $0xFFFFFFFF  }
0xa7: {  	s28 =	simm.s32 $_size_execute0_lowered;
	s3 =	sadd.s32 s3, s5;
	[dreg:$0x0] =	wrdreg $0x0  }
0xa8: {  	s5 =	sshll.u32 s28, $0x1;
	[dreg:$0x2] =	wrdreg s3  }
0xa9: {  	[dreg:$0x3] =	wrdreg s5  }
0xaa: {  	[dreg:$0x4] =	wrdreg $0xC0  }
0xab: {  	_ =	task [dreg:s7], $0x5FFFF  }
0xac: {  	[dreg:$0x1] =	wrdreg $0xFFFFFFFF  }
0xad: {  	[dreg:$0x0] =	wrdreg $0x60  }
0xae: {  	[dreg:$0x2] =	wrdreg s24  }
0xaf: {  	[dreg:$0x3] =	wrdreg s2  }
0xb0: {  	[dreg:$0x4] =	wrdreg $0x102000  }
0xb1: {  	[dreg:$0x5] =	wrdreg $0x9  }
0xb2: {  	_ =	task.clear_ibuf [dreg:s7], $0x6FFFF;
	_ =	strace $0x90000046  }
0xb3: {  	s29 =	simm.s32 $0x9;
	_ =	strace $0x80000048  }
0xb4: {  	_ =	swait.ge [sflag:s29], $0x1  }
0xb5: {  	[sflag:s29] =	ssyncadd.s32 $0xFFFFFFFF  }
0xb6: {  	_ =	strace $0x90000048  }
0xb7: {  	_ =	sfence  }
0xb8: {  	s30 =	sld [smem:$0x0];
	_ =	sdelay $0x2  }
0xb9: {  	s31 =	sshll.u32 s1, $0xD;
	s1 =	sshrl.u32 s1, $0x2  }
0xba: {  	s3 =	sand.u32 $0x4000, s31;
	s1 =	sadd.s32 s1, s30  }
0xbb: {  	s0 =	sor.u32 s3, s0;
	s1 =	sshll.u32 s1, $0x11  }
0xbc: {  	s0 =	sor.u32 s1, s0  }
0xbd: {  	s0 =	sadd.s32 $0x8F2B, s0  }
0xbe: {  	[sflag:s0] =	ssyncadd.remote.s32 $0x1  }
0xbf: {  	_ =	sfence.sel $0xFFFF  }
0xc0: {  	[dreg:$0x0] =	wrdreg $0xFFFFFFFF;
	(pc) =	sbr.abs _section_cstart, $3  }
0xc1: {  	[dreg:$0x1] =	wrdreg $0xFFFFFFFF  }
0xc2: {  	_ =	task.clear_ibuf [dreg:s7], $0x2FFFF;
	_ =	strace $0x9FFFFFFF  }
0xc3: {  	(tm) =	ssettm $0x7FFFFFFF  }
tec
execute0_lowered:
.L_overlay_start_1:
0x0: {  	(tag) =	ssettag $0x1  }
0x1: {  	s0 =	rddreg [dreg:$0x0]  }
0x2: {  	s1 =	rddreg [dreg:$0x1]  }
0x3: {  	s2 =	rddreg [dreg:$0x2];
	s3 =	simm.s32 $0x0;
	s13 =	stileid.u32  }
0x4: {  	s5 =	srdreg.scid;
	s28 =	simm.s32 $0x4200;
	s29 =	simm.s32 $0x5  }
0x5: {  	s30 =	simm.s32 $0x3;
	s31 =	simm.s32 $0x8200;
	s4 =	smul.u32 $0xC00, s13  }
0x6: {  	[smem:$0x7FF] =	sst s3;
	s5 =	sand.u32 $0x1, s5;
	s9 =	smul.u32 $0x18000, s13  }
0x7: {  	s15 =	sshll.u32 s13, $0x1;
	s16 =	smul.u32 $0x640000, s13;
	s11 =	sshll.u32 s13, $0x6  }
0x8: {  	s23 =	smul.u32 $0x1900, s13;
	p0 =	sne.s32 s13, $0xF;
	s13 =	simm.s32 $0xC  }
0x9: {  	_ =	strace $0x80000047;
	s7 =	ssub.s32 $0x2, s5;
	s12 =	smul.u32 $0x320000, s5  }
0xa: {  	s8 =	sor.u32 s5, s15;
	s5 =	smul.u32 $0xC80, s5;
	s6 =	sadd.s32 s4, s0  }
0xb: {  	s4 =	sadd.s32 $0xD400, s0;
	s10 =	sshrl.u32 s7, $0x1;
	s8 =	smul.u32 $0xC80, s8  }
0xc: {  	s9 =	sshrl.u32 s9, $0x2;
	s0 =	sadd.s32 $0xD000, s0;
	s7 =	ssub.s32 s7, s10  }
0xd: {  	s9 =	sadd.s32 s9, s2;
	s6 =	sadd.s32 $0x1000, s6;
	[dreg:$0x5] =	wrdreg s0  }
0xe: {  	s17 =	sadd.s32 s12, s16;
	s10 =	simm.s32 $0x8;
	[dreg:$0x4] =	wrdreg s6  }
0xf: {  	s6 =	sor.u32 $0x1C0D, s11;
	s11 =	sadd.s32 $0x60000, s2;
	s14 =	sadd.s32 s4, s8  }
0x10: {  	s19 =	sor.u32 $0xC000, s17;
	s7 =	smax.u32 s7, $0x1;
	s22 =	sor.u32 $0x8000, s17  }
0x11: {  	s24 =	sor.u32 $0x4000, s17;
	s0 =	sshrl.u32 s17, $0x3;
	s17 =	sadd.s32 s5, s23  }
0x12: {  	s26 =	sshrl.u32 s9, $0x3;
	s23 =	simm.s32 $0x180;
	[dreg:$0x6] =	wrdreg s14  }
0x13: {  	s5 =	simm.s32 $0xC200;
	s9 =	simm.s32 $0x9;
	[dreg:$0xa] =	wrdreg s7  }
0x14: {  	s8 =	sadd.s32 $0x10, s14;
	s18 =	sadd.s32 $0x20, s14;
	[dreg:$0xf] =	wrdreg s26  }
0x15: {  	s20 =	sadd.s32 $0x30, s14;
	s21 =	sshrl.u32 s19, $0x3;
	[dreg:$0x7] =	wrdreg s8  }
0x16: {  	s25 =	sshrl.u32 s24, $0x3;
	s0 =	sadd.s32 s0, s1;
	[dreg:$0x8] =	wrdreg s18  }
0x17: {  	s26 =	simm.s32 $0x2;
	s14 =	simm.s32 $0x0;
	[dreg:$0x9] =	wrdreg s20  }
0x18: {  	s7 =	sadd.s32 s21, s1;
	[dreg:$0xe] =	wrdreg s0;
	s0 =	sshrl.u32 @!p0 s11, $0x3  }
.Ltmp0:
0x19: {  	s21 =	simm.s32 $0x80;
	[dreg:$0xb] =	wrdreg s7;
	(pc) =	sbr.rel .LBB2_1-.Ltmp0, $4  }
0x1a: {  	s11 =	simm.s32 $0xA;
	s7 =	sshrl.u32 s22, $0x3;
	[dreg:$0x10] =	wrdreg s0  }
0x1b: {  	s22 =	simm.s32 $0x100;
	s0 =	simm.s32 $0x6;
	s7 =	sadd.s32 s7, s1  }
0x1c: {  	[dreg:$0xc] =	wrdreg s7;
	s7 =	sadd.s32 s25, s1;
	s25 =	simm.s32 $0x200  }
0x1d: {  	s1 =	simm.s32 $0x4;
	[dreg:$0xd] =	wrdreg s7;
	s7 =	simm.s32 $0x7  }
.LBB2_4:
0x1e: {  	s8 =	simm.s32 $0xB  }
0x1f: {  	_ =	swait.ge [sflag:s8], $0x4000  }
0x20: {  	[sflag:s8] =	ssyncset.done $0x0  }
0x21: {  	[sflag:s8] =	ssyncadd.s32 $0xFFFFC000  }
0x22: {  	_ =	swait.ge [sflag:s13], $0x4000  }
0x23: {  	s14 =	sadd.s32 $0x1, s14;
	s24 =	rddreg [dreg:$0xa]  }
0x24: {  	p1 =	sne.s32 s14, s24  }
.Ltmp1:
0x25: {  	_ = 	snop;
	(pc) =	sbr.rel @!p1 .LBB2_5-.Ltmp1, $3  }
0x26: {  	_ =	sdelay $0x1  }
0x27: {  	[sflag:s13] =	ssyncset.done $0x0  }
0x28: {  	[sflag:s13] =	ssyncadd.s32 $0xFFFFC000  }
.LBB2_1:
0x29: {  	s8 =	rddreg [dreg:$0x4]  }
0x2a: {  	s12 =	rddreg [dreg:$0xf];
	s15 =	simm.s32 $0xD  }
0x2b: {  	[spmem:s12], [sflag:s6] =	dma.local [hbm:s8], $0xC00  }
0x2c: {  	_ =	swait.ge [sflag:s15], $0xC00  }
0x2d: {  	[sflag:s15] =	ssyncset.done $0x0;
	s8 =	rddreg [dreg:$0x5]  }
0x2e: {  	s12 =	rddreg [dreg:$0x10];
	[sflag:s15] =	ssyncadd.s32 $0xFFFFF400  }
0x2f: {  	[spmem:s12], [sflag:s6] =	dma.local @!p0 [hbm:s8], $0x300  }
0x30: {  	s8 =	simm.s32 @!p0 $0xD  }
0x31: {  	_ =	swait.ge @!p0 [sflag:s8], $0x300  }
0x32: {  	[sflag:s8] =	ssyncset.done @!p0 $0x0  }
0x33: {  	[sflag:s8] =	ssyncadd.s32 @!p0 $0xFFFFFD00  }
0x34: {  	[bflag:$0x0] =	sbarrier.arrive $0xFFFF  }
0x35: {  	s16 =	rddreg [dreg:$0x6]  }
0x36: {  	[tilespmem:s3], [sflag:$0x1] =	stream.linear.gather [hbm4b:s16+s3], $0x80, $0x38;
	[tilespmem:$0x16380] =	vst v63  }
0x37: {  	s18 =	rddreg [dreg:$0x7]  }
0x38: {  	[tilespmem:s21], [sflag:$0x2] =	stream.linear.gather [hbm4b:s18+s3], $0x80, $0x38;
	[tilespmem:$0x16380] =	vst v63  }
0x39: {  	s19 =	rddreg [dreg:$0x8]  }
0x3a: {  	[tilespmem:s22], [sflag:$0x3] =	stream.linear.gather [hbm4b:s19+s3], $0x80, $0x38;
	[tilespmem:$0x16380] =	vst v63  }
0x3b: {  	s24 =	simm.s32 $0x1;
	s20 =	rddreg [dreg:$0x9]  }
0x3c: {  	[tilespmem:s23], [sflag:$0x4] =	stream.linear.gather [hbm4b:s20+s3], $0x80, $0x38;
	[tilespmem:$0x16380] =	vst v63  }
0x3d: {  	_ =	swait.ge [sflag:s24], $0x80  }
0x3e: {  	[sflag:s24] =	ssyncset.done $0x0  }
0x3f: {  	[sflag:s24] =	ssyncadd.s32 $0xFFFFFF80  }
0x40: {  	[tilespmem:s25], [sflag:$0x5] =	stream.indirect.gather [spmem:s2], $0x80, s3, s21, $0xb8;
	[tilespmem:$0x16380] =	vst v63  }
0x41: {  	_ =	swait.ge [sflag:s26], $0x80  }
0x42: {  	s16 =	rddreg [dreg:$0xe]  }
0x43: {  	s15 =	rddreg [dreg:$0xd]  }
0x44: {  	[sflag:s26] =	ssyncset.done $0x0;
	s18 =	rddreg [dreg:$0xc]  }
0x45: {  	s8 =	simm.s32 $0x70;
	s20 =	rddreg [dreg:$0xb];
	[sflag:s26] =	ssyncadd.s32 $0xFFFFFF80  }
0x46: {  	[tilespmem:s28], [sflag:$0x6] =	stream.indirect.gather [spmem:s2], $0x80, s21, s21, $0xb8;
	[tilespmem:$0x16380] =	vst v63  }
.LBB2_2:
0x47: {  	_ =	swait.ge [sflag:s29], $0x4000  }
0x48: {  	p2 =	seq.s32 s8, $0x70;
	[sflag:s29] =	ssyncset.done $0x0  }
0x49: {  	s19 =	simm.s32 @!p2 $0xB;
	[sflag:s29] =	ssyncadd.s32 $0xFFFFC000  }
0x4a: {  	[hbm4b:s16+s3] =	stream.linear.scatter [tilespmem:s25], [sflag:$0x9], $0x4000, $0x38;
	[tilespmem:$0x16380] =	vst v63  }
0x4b: {  	_ =	swait.ge @!p2 [sflag:s19], $0x4000  }
0x4c: {  	[sflag:s19] =	ssyncset.done @!p2 $0x0  }
0x4d: {  	p1 =	seq.s32 s8, $0xCB0;
	[sflag:s19] =	ssyncadd.s32 @!p2 $0xFFFFC000  }
0x4e: {  	s19 =	sadd.s32 @!p1 $0xFFFFFFD0, s8;
	_ =	swait.ge [sflag:s30], $0x80  }
0x4f: {  	s24 =	sadd.s32 @!p1 s17, s19;
	s19 =	sand.u32 @!p1 $0x40, s19;
	[sflag:s30] =	ssyncset.done $0x0  }
0x50: {  	s24 =	sand.u32 @!p1 $0xFFFFF80, s24;
	s19 =	sadd.s32 @!p1 s4, s19;
	[sflag:s30] =	ssyncadd.s32 $0xFFFFFF80  }
0x51: {  	[tilespmem:s31], [sflag:$0x7] =	stream.indirect.gather [spmem:s2], $0x80, s22, s21, $0xb8;
	[tilespmem:$0x16380] =	vst v63  }
0x52: {  	s19 =	sadd.s32 @!p1 s24, s19;
	s24 =	simm.s32 @!p1 $0x0  }
0x53: {  	[tilespmem:s24], [sflag:$0x1] =	stream.linear.gather @!p1 [hbm4b:s19+s24], $0x80, $0x38;
	[tilespmem:$0x16380] =	vst v63  }
0x54: {  	_ =	swait.ge [sflag:s0], $0x4000  }
0x55: {  	[sflag:s0] =	ssyncset.done $0x0  }
0x56: {  	s19 =	simm.s32 @!p2 $0xC;
	[sflag:s0] =	ssyncadd.s32 $0xFFFFC000  }
0x57: {  	[hbm4b:s15+s3] =	stream.linear.scatter [tilespmem:s28], [sflag:$0xA], $0x4000, $0x38;
	[tilespmem:$0x16380] =	vst v63  }
0x58: {  	_ =	swait.ge @!p2 [sflag:s19], $0x4000  }
0x59: {  	[sflag:s19] =	ssyncset.done @!p2 $0x0  }
0x5a: {  	[sflag:s19] =	ssyncadd.s32 @!p2 $0xFFFFC000  }
0x5b: {  	s19 =	sadd.s32 @!p1 $0xFFFFFFE0, s8;
	_ =	swait.ge [sflag:s1], $0x80  }
0x5c: {  	s12 =	sadd.s32 @!p1 s17, s19;
	s19 =	sand.u32 @!p1 $0x50, s19;
	[sflag:s1] =	ssyncset.done $0x0  }
0x5d: {  	s12 =	sand.u32 @!p1 $0xFFFFF80, s12;
	s19 =	sadd.s32 @!p1 s4, s19;
	[sflag:s1] =	ssyncadd.s32 $0xFFFFFF80  }
0x5e: {  	[tilespmem:s5], [sflag:$0x8] =	stream.indirect.gather [spmem:s2], $0x80, s23, s21, $0xb8;
	[tilespmem:$0x16380] =	vst v63  }
0x5f: {  	s12 =	sadd.s32 @!p1 s12, s19;
	s19 =	simm.s32 @!p1 $0x80  }
0x60: {  	[tilespmem:s19], [sflag:$0x2] =	stream.linear.gather @!p1 [hbm4b:s12+s24], $0x80, $0x38;
	[tilespmem:$0x16380] =	vst v63  }
0x61: {  	_ =	swait.ge [sflag:s7], $0x4000  }
0x62: {  	[sflag:s7] =	ssyncset.done $0x0  }
0x63: {  	[sflag:s7] =	ssyncadd.s32 $0xFFFFC000  }
0x64: {  	[hbm4b:s18+s3] =	stream.linear.scatter [tilespmem:s31], [sflag:$0xB], $0x4000, $0x38;
	[tilespmem:$0x16380] =	vst v63  }
0x65: {  	_ =	swait.ge [sflag:s9], $0x4000  }
0x66: {  	[sflag:s9] =	ssyncset.done $0x0  }
0x67: {  	s12 =	simm.s32 @!p1 $0x1;
	[sflag:s9] =	ssyncadd.s32 $0xFFFFC000  }
0x68: {  	_ =	swait.ge @!p1 [sflag:s12], $0x80  }
0x69: {  	[sflag:s12] =	ssyncset.done @!p1 $0x0  }
0x6a: {  	[sflag:s12] =	ssyncadd.s32 @!p1 $0xFFFFFF80;
	s12 =	simm.s32 @!p1 $0x200  }
0x6b: {  	[tilespmem:s12], [sflag:$0x5] =	stream.indirect.gather @!p1 [spmem:s2], $0x80, s24, s19, $0xb8;
	[tilespmem:$0x16380] =	vst v63  }
0x6c: {  	s12 =	sadd.s32 @!p1 $0xFFFFFFF0, s8  }
0x6d: {  	s19 =	sadd.s32 @!p1 s17, s12;
	s12 =	sand.u32 @!p1 $0x60, s12  }
0x6e: {  	s19 =	sand.u32 @!p1 $0xFFFFF80, s19;
	s12 =	sadd.s32 @!p1 s4, s12  }
0x6f: {  	s12 =	sadd.s32 @!p1 s19, s12;
	s19 =	simm.s32 @!p1 $0x100  }
0x70: {  	[tilespmem:s19], [sflag:$0x3] =	stream.linear.gather @!p1 [hbm4b:s12+s24], $0x80, $0x38;
	[tilespmem:$0x16380] =	vst v63  }
0x71: {  	_ =	swait.ge [sflag:s10], $0x4000  }
0x72: {  	[sflag:s10] =	ssyncset.done $0x0  }
.Ltmp2:
0x73: {  	[sflag:s10] =	ssyncadd.s32 $0xFFFFC000;
	(pc) =	sbr.rel @p1 .LBB2_4-.Ltmp2, $4  }
0x74: {  	[hbm4b:s20+s3] =	stream.linear.scatter [tilespmem:s5], [sflag:$0xC], $0x4000, $0x38;
	[tilespmem:$0x16380] =	vst v63  }
0x75: {  	_ =	swait.ge [sflag:s11], $0x4000  }
0x76: {  	[sflag:s11] =	ssyncset.done $0x0  }
0x77: {  	[sflag:s11] =	ssyncadd.s32 $0xFFFFC000  }
0x78: {  	_ =	swait.ge [sflag:s26], $0x80;
	s12 =	sadd.s32 s8, s17  }
0x79: {  	s19 =	sand.u32 $0x70, s8;
	s20 =	sadd.s32 $0x2000, s20;
	s18 =	sadd.s32 $0x2000, s18  }
.Ltmp3:
0x7a: {  	s15 =	sadd.s32 $0x2000, s15;
	[sflag:s26] =	ssyncset.done $0x0;
	(pc) =	sbr.rel .LBB2_2-.Ltmp3, $4  }
0x7b: {  	s12 =	sand.u32 $0xFFFFF80, s12;
	s19 =	sadd.s32 s4, s19;
	[sflag:s26] =	ssyncadd.s32 $0xFFFFFF80  }
0x7c: {  	[tilespmem:s28], [sflag:$0x6] =	stream.indirect.gather [spmem:s2], $0x80, s21, s21, $0xb8;
	[tilespmem:$0x16380] =	vst v63  }
0x7d: {  	s16 =	sadd.s32 $0x2000, s16;
	s8 =	sadd.s32 $0x40, s8;
	s12 =	sadd.s32 s12, s19  }
0x7e: {  	[tilespmem:s23], [sflag:$0x4] =	stream.linear.gather [hbm4b:s12+s3], $0x80, $0x38;
	[tilespmem:$0x16380] =	vst v63  }
.LBB2_5:
0x7f: {  	_ =	sfence.sel $0x180000  }
0x80: {  	[bflag:$0x0] =	sbarrier.arrive $0xFFFF  }
0x81: {  	_ =	strace $0x90000047  }
0x82: {  	s0 =	stileid.u32;
	[bflag:$0x2] =	sbarrier.arrive $0xFFFF  }
0x83: {  	p0 =	sne.s32 s0, $0x0;
	s0 =	rddreg [dreg:$0x3]  }
0x84: {  	s0 =	sadd.s32 @!p0 $0x100000, s0  }
0x85: {  	[sflag:s0] =	ssyncadd.tile.s32 @!p0 $0x1;
	_ =	shalt  }
.Lfunc_end2:
_tile_overlayer_lowered:
.L_overlay_start_2:
0x86: {  	(tag) =	ssettag $0x2  }
0x87: {  	s0 =	rddreg [dreg:$0x0];
	s2 =	stileid.u32  }
0x88: {  	s1 =	rddreg [dreg:$0x1];
	p0 =	sne.s32 s2, $0x0  }
0x89: {  	s3 =	rddreg [dreg:$0x2];
	[bflag:$0x3] =	sbarrier.arrive $0xFFFF;
	s2 =	simm.s32 @!p0 $0x1C0D  }
0x8a: {  	[timem:s3], [sflag:s2] =	dma.local @!p0 [hbm:s0], s1  }
0x8b: {  	s0 =	simm.s32 @!p0 $0xD  }
0x8c: {  	_ =	swait.ge @!p0 [sflag:s0], s1  }
0x8d: {  	s1 =	ssub.s32 @!p0 $0x0, s1;
	[sflag:s0] =	ssyncset.done @!p0 $0x0  }
0x8e: {  	[sflag:s0] =	ssyncadd.s32 @!p0 s1  }
0x8f: {  	[bflag:$0x3] =	sbarrier.arrive $0xFFFF  }
0x90: {  	_ =	shalt  }

</sc_bundles>
